<compile_context>
chip_gen: v7x
topology: tpu7x:2x2x1
jax: 0.10.2.dev20260603
libtpu: 0.0.44.dev20260713+nightly
codegen_flags: <defaults>
</compile_context>

<pallas_src>
import functools

import jax
import jax.numpy as jnp
from jax import lax
from jax.experimental import pallas as pl
from jax.experimental.pallas import tpu as pltpu
from jax.experimental.pallas import tpu_sc as plsc

NW = 32


def _gates_body(ctx1_ref, ctx2_ref, w11_ref, b11_ref, w12_ref, b12_ref,
                w21_ref, b21_ref, w22_ref, b22_ref, g1_ref, g2_ref):
    h1 = jnp.maximum(
        jnp.dot(ctx1_ref[...], w11_ref[...],
                preferred_element_type=jnp.float32) + b11_ref[...], 0.0)
    g1_ref[...] = jax.nn.sigmoid(
        jnp.dot(h1, w12_ref[...],
                preferred_element_type=jnp.float32) + b12_ref[...]) * 2.0
    h2 = jnp.maximum(
        jnp.dot(ctx2_ref[...], w21_ref[...],
                preferred_element_type=jnp.float32) + b21_ref[...], 0.0)
    g2_ref[...] = jax.nn.sigmoid(
        jnp.dot(h2, w22_ref[...],
                preferred_element_type=jnp.float32) + b22_ref[...]) * 2.0


def _sc_body(x_hbm, g1_hbm, g2_hbm, o1_hbm, o2_hbm,
             g1buf, g2buf, xb, o1b, gsem, insem, o1sem, o2sem):
    B, L, D = x_hbm.shape
    nc = B // NW
    c_ax = lax.axis_index("c")
    s_ax = lax.axis_index("s")
    wid = s_ax * 2 + c_ax
    base = wid * nc

    pltpu.make_async_copy(g1_hbm, g1buf, gsem).start()
    pltpu.make_async_copy(g1_hbm, g1buf, gsem).wait()
    pltpu.make_async_copy(g2_hbm, g2buf, gsem).start()
    pltpu.make_async_copy(g2_hbm, g2buf, gsem).wait()

    def in_copy(c, p):
        return pltpu.make_async_copy(
            x_hbm.at[base + c], xb.at[p], insem.at[p])

    def o1_copy(c):
        return pltpu.make_async_copy(
            o1b, o1_hbm.at[base + c], o1sem)

    def o2_copy(c, p):
        return pltpu.make_async_copy(
            xb.at[p], o2_hbm.at[base + c], o2sem.at[p])

    in_copy(0, 0).start()

    def step(c, carry):
        p = lax.rem(c, 2)

        @pl.when(c >= 1)
        def _():
            o2_copy(c - 1, 1 - p).wait()

        @pl.when(c + 1 < nc)
        def _():
            in_copy(c + 1, 1 - p).start()

        in_copy(c, p).wait()

        @pl.when(c >= 1)
        def _():
            o1_copy(c - 1).wait()

        xp = xb.at[p]

        @plsc.parallel_loop(0, D // 16, step=1)
        def _(k):
            ds_k = pl.ds(k * 16, 16)
            g1v = g1buf[ds_k]
            for j in range(L):
                o1b[j, ds_k] = xp[j, ds_k] * g1v

        o1_copy(c).start()

        @plsc.parallel_loop(0, D // 16, step=1)
        def _(k):
            ds_k = pl.ds(k * 16, 16)
            g2v = g2buf[ds_k]
            for j in range(L):
                xp[j, ds_k] = xp[j, ds_k] * g2v

        o2_copy(c, p).start()

        return carry

    lax.fori_loop(0, nc, step, 0)

    o1_copy(nc - 1).wait()
    o2_copy(nc - 1, lax.rem(nc - 1, 2)).wait()


def kernel(feed_dict, flat_emb, fs1_ctx_bias, fs2_ctx_bias,
           fs1_W1, fs1_b1, fs1_W2, fs1_b2,
           fs2_W1, fs2_b1, fs2_W2, fs2_b2):
    B, L, D = flat_emb.shape
    E = fs1_ctx_bias.shape[-1]
    H = fs1_W1.shape[-1]

    g1, g2 = pl.pallas_call(
        _gates_body,
        out_shape=[
            jax.ShapeDtypeStruct((1, D), jnp.float32),
            jax.ShapeDtypeStruct((1, D), jnp.float32),
        ],
    )(fs1_ctx_bias, fs2_ctx_bias,
      fs1_W1, fs1_b1.reshape(1, H), fs1_W2, fs1_b2.reshape(1, D),
      fs2_W1, fs2_b1.reshape(1, H), fs2_W2, fs2_b2.reshape(1, D))
    g1 = g1.reshape(D)
    g2 = g2.reshape(D)

    mesh = plsc.VectorSubcoreMesh(core_axis_name="c", subcore_axis_name="s")
    sc = functools.partial(
        pl.kernel,
        mesh=mesh,
        out_type=[
            jax.ShapeDtypeStruct((B, L, D), jnp.float32),
            jax.ShapeDtypeStruct((B, L, D), jnp.float32),
        ],
        scratch_types=[
            pltpu.VMEM((D,), jnp.float32),
            pltpu.VMEM((D,), jnp.float32),
            pltpu.VMEM((2, L, D), jnp.float32),
            pltpu.VMEM((L, D), jnp.float32),
            pltpu.SemaphoreType.DMA,
            pltpu.SemaphoreType.DMA((2,)),
            pltpu.SemaphoreType.DMA,
            pltpu.SemaphoreType.DMA((2,)),
        ],
    )(_sc_body)
    out1, out2 = sc(flat_emb, g1, g2)
    return (out1, out2)

# --- scband reference (transcript-rebuilt; emitter-appended) ---
"""Pipeline reference for scband-feature-selection-19679540150740 (READ-ONLY COPY).

The authoritative reference and input builder live on the scoring server;
editing this copy changes nothing except your own understanding.
"""

import jax, jax.numpy as jnp
import numpy as np

B, L, D, E, H = 1024, 20, 1664, 64, 64


def setup_inputs(seed: int = 0) -> dict:
    key = jax.random.key(seed)
    ks = jax.random.split(key, 12)
    flat_emb = jax.random.normal(ks[0], (B, L, D), dtype=jnp.float32)
    feed_dict = jax.random.randint(ks[1], (1,), 0, 2, dtype=jnp.int64)  # unused (empty fs contexts)
    fs1_ctx_bias = jnp.zeros((1, E), dtype=jnp.float32)
    fs2_ctx_bias = jnp.zeros((1, E), dtype=jnp.float32)
    fs1_W1 = jax.random.normal(ks[2], (E, H), dtype=jnp.float32) * 0.05
    fs1_b1 = jnp.zeros((H,), dtype=jnp.float32)
    fs1_W2 = jax.random.normal(ks[3], (H, D), dtype=jnp.float32) * 0.05
    fs1_b2 = jnp.zeros((D,), dtype=jnp.float32)
    fs2_W1 = jax.random.normal(ks[4], (E, H), dtype=jnp.float32) * 0.05
    fs2_b1 = jnp.zeros((H,), dtype=jnp.float32)
    fs2_W2 = jax.random.normal(ks[5], (H, D), dtype=jnp.float32) * 0.05
    fs2_b2 = jnp.zeros((D,), dtype=jnp.float32)
    return {
        "feed_dict": feed_dict,
        "flat_emb": flat_emb,
        "fs1_ctx_bias": fs1_ctx_bias,
        "fs2_ctx_bias": fs2_ctx_bias,
        "fs1_W1": fs1_W1, "fs1_b1": fs1_b1, "fs1_W2": fs1_W2, "fs1_b2": fs1_b2,
        "fs2_W1": fs2_W1, "fs2_b1": fs2_b1, "fs2_W2": fs2_W2, "fs2_b2": fs2_b2,
    }


def reference(feed_dict, flat_emb, fs1_ctx_bias, fs2_ctx_bias,
              fs1_W1, fs1_b1, fs1_W2, fs1_b2,
              fs2_W1, fs2_b1, fs2_W2, fs2_b2):
    Bx, Lx = flat_emb.shape[0], flat_emb.shape[1]
    # fs1: empty context -> learned bias broadcast to [B, L, E]
    fs1_input = jnp.broadcast_to(fs1_ctx_bias[:, None, :], (Bx, Lx, fs1_ctx_bias.shape[-1]))
    h1 = jax.nn.relu(fs1_input @ fs1_W1 + fs1_b1)
    gt1 = jax.nn.sigmoid(h1 @ fs1_W2 + fs1_b2) * 2.0
    feature1 = flat_emb * gt1
    # fs2: empty context -> learned bias broadcast to [B, L, E]
    fs2_input = jnp.broadcast_to(fs2_ctx_bias[:, None, :], (Bx, Lx, fs2_ctx_bias.shape[-1]))
    h2 = jax.nn.relu(fs2_input @ fs2_W1 + fs2_b1)
    gt2 = jax.nn.sigmoid(h2 @ fs2_W2 + fs2_b2) * 2.0
    feature2 = flat_emb * gt2
    return (feature1, feature2)

if __name__ == "__main__":
    import jax
    _d = setup_inputs()
    print(jax.jit(kernel)(*tuple(_d.values())))

</pallas_src>

<mosaic_0001>
#map = affine_map<(d0, d1) -> (0, 0, 0)>
#map1 = affine_map<(d0, d1) -> (0)>
module attributes {stable_mosaic.version = 14 : i64} {
  func.func @_sc_body(%arg0: i32, %arg1: i32, %arg2: memref<1024x20x1664xf32, #tpu.memory_space<hbm>>, %arg3: memref<1664xf32, #tpu.memory_space<hbm>>, %arg4: memref<1664xf32, #tpu.memory_space<hbm>>, %arg5: memref<1024x20x1664xf32, #tpu.memory_space<hbm>>, %arg6: memref<1024x20x1664xf32, #tpu.memory_space<hbm>>, %arg7: memref<1664xf32, #tpu.memory_space<vmem>>, %arg8: memref<1664xf32, #tpu.memory_space<vmem>>, %arg9: memref<2x20x1664xf32, #tpu.memory_space<vmem>>, %arg10: memref<20x1664xf32, #tpu.memory_space<vmem>>, %arg11: memref<!tpu.dma_semaphore, #tpu.memory_space<semaphore_mem>>, %arg12: memref<2x!tpu.dma_semaphore, #tpu.memory_space<semaphore_mem>>, %arg13: memref<!tpu.dma_semaphore, #tpu.memory_space<semaphore_mem>>, %arg14: memref<2x!tpu.dma_semaphore, #tpu.memory_space<semaphore_mem>>) attributes {dimension_semantics = [#tpu.dimension_semantics<core_parallel>, #tpu.dimension_semantics<subcore_parallel>], iteration_bounds = array<i64: 2, 16>, scalar_prefetch = 0 : i64, scratch_operands = 8 : i64, tpu.core_type = #tpu.core_type<sc_vector_subcore>, window_params = [{transform_indices = #map}, {transform_indices = #map1}, {transform_indices = #map1}, {transform_indices = #map}, {transform_indices = #map}]} {
    %mul3A = arith.constant 2 : i32
    %mul3A_0 = arith.muli %arg1, %mul3A : i32
    %add3A = arith.addi %mul3A_0, %arg0 : i32
    %mul3A_1 = arith.constant 32 : i32
    %mul3A_2 = arith.muli %add3A, %mul3A_1 : i32
    tpu.enqueue_dma source(%arg3 : memref<1664xf32, #tpu.memory_space<hbm>>) target(%arg7 : memref<1664xf32, #tpu.memory_space<vmem>>) target_semaphore(%arg11 : memref<!tpu.dma_semaphore, #tpu.memory_space<semaphore_mem>>)
    tpu.wait_dma2 semaphore(%arg11 : memref<!tpu.dma_semaphore, #tpu.memory_space<semaphore_mem>>) src(%arg3 : memref<1664xf32, #tpu.memory_space<hbm>>) dst(%arg7 : memref<1664xf32, #tpu.memory_space<vmem>>)
    tpu.enqueue_dma source(%arg4 : memref<1664xf32, #tpu.memory_space<hbm>>) target(%arg8 : memref<1664xf32, #tpu.memory_space<vmem>>) target_semaphore(%arg11 : memref<!tpu.dma_semaphore, #tpu.memory_space<semaphore_mem>>)
    tpu.wait_dma2 semaphore(%arg11 : memref<!tpu.dma_semaphore, #tpu.memory_space<semaphore_mem>>) src(%arg4 : memref<1664xf32, #tpu.memory_space<hbm>>) dst(%arg8 : memref<1664xf32, #tpu.memory_space<vmem>>)
    %add3A_3 = arith.constant 0 : i32
    %add3A_4 = arith.addi %mul3A_2, %add3A_3 : i32
    %dma_start3A = arith.constant 0 : i32
    %dma_start3A_5 = arith.constant 0 : i32
    %dma_start3A_6 = arith.constant 0 : i32
    %dma_start3A_7 = arith.constant 0 : i32
    %dma_start3A_8 = tpu.memref_slice %arg9[%dma_start3A, %dma_start3A_6, %dma_start3A_7] : memref<2x20x1664xf32, #tpu.memory_space<vmem>> -> memref<1x20x1664xf32, #tpu.memory_space<vmem>>
    %dma_start3A_9 = tpu.memref_squeeze %dma_start3A_8 : memref<1x20x1664xf32, #tpu.memory_space<vmem>> -> memref<20x1664xf32, #tpu.memory_space<vmem>>
    %dma_start3A_10 = arith.constant 0 : i32
    %dma_start3A_11 = arith.constant 0 : i32
    %dma_start3A_12 = tpu.memref_slice %arg2[%add3A_4, %dma_start3A_10, %dma_start3A_11] : memref<1024x20x1664xf32, #tpu.memory_space<hbm>> -> memref<1x20x1664xf32, #tpu.memory_space<hbm>>
    %dma_start3A_13 = tpu.memref_squeeze %dma_start3A_12 : memref<1x20x1664xf32, #tpu.memory_space<hbm>> -> memref<20x1664xf32, #tpu.memory_space<hbm>>
    %dma_start3A_14 = tpu.memref_slice %arg12[%dma_start3A_5] : memref<2x!tpu.dma_semaphore, #tpu.memory_space<semaphore_mem>> -> memref<1x!tpu.dma_semaphore, #tpu.memory_space<semaphore_mem>>
    %dma_start3A_15 = tpu.memref_squeeze %dma_start3A_14 : memref<1x!tpu.dma_semaphore, #tpu.memory_space<semaphore_mem>> -> memref<!tpu.dma_semaphore, #tpu.memory_space<semaphore_mem>>
    %dma_start3A_16 = arith.constant 0 : i32
    %dma_start3A_17 = arith.constant 0 : i32
    %dma_start3A_18 = tpu.memref_slice %arg9[%dma_start3A, %dma_start3A_16, %dma_start3A_17] : memref<2x20x1664xf32, #tpu.memory_space<vmem>> -> memref<1x20x1664xf32, #tpu.memory_space<vmem>>
    %dma_start3A_19 = tpu.memref_squeeze %dma_start3A_18 : memref<1x20x1664xf32, #tpu.memory_space<vmem>> -> memref<20x1664xf32, #tpu.memory_space<vmem>>
    %dma_start3A_20 = arith.constant 0 : i32
    %dma_start3A_21 = arith.constant 0 : i32
    %dma_start3A_22 = tpu.memref_slice %arg2[%add3A_4, %dma_start3A_20, %dma_start3A_21] : memref<1024x20x1664xf32, #tpu.memory_space<hbm>> -> memref<1x20x1664xf32, #tpu.memory_space<hbm>>
    %dma_start3A_23 = tpu.memref_squeeze %dma_start3A_22 : memref<1x20x1664xf32, #tpu.memory_space<hbm>> -> memref<20x1664xf32, #tpu.memory_space<hbm>>
    tpu.enqueue_dma source(%dma_start3A_23 : memref<20x1664xf32, #tpu.memory_space<hbm>>) target(%dma_start3A_19 : memref<20x1664xf32, #tpu.memory_space<vmem>>) target_semaphore(%dma_start3A_15 : memref<!tpu.dma_semaphore, #tpu.memory_space<semaphore_mem>>)
    %scan3A = arith.constant 0 : i32
    %scan3A_24 = arith.constant 0 : i32
    %scan3A_25 = arith.constant 32 : i32
    %scan3A_26 = arith.addi %scan3A_24, %scan3A_25 : i32
    %scan3A_27 = arith.constant 1 : i32
    scf.for %scan3A_60 = %scan3A_24 to %scan3A_26 step %scan3A_27  : i32 {
      %rem3A_61 = arith.constant 2 : i32
      %rem3A_62 = arith.remsi %scan3A_60, %rem3A_61 : i32
      %ge3A = arith.constant 1 : i32
      %ge3A_63 = arith.cmpi sge, %scan3A_60, %ge3A : i32
      %convert_element_type3A = arith.extui %ge3A_63 : i1 to i32
      %cond3A = arith.constant 0 : i32
      %cond3A_64 = arith.cmpi ne, %convert_element_type3A, %cond3A : i32
      scf.if %cond3A_64 {
        %sub3A = arith.constant 1 : i32
        %sub3A_128 = arith.subi %scan3A_60, %sub3A : i32
        %sub3A_129 = arith.constant 1 : i32
        %sub3A_130 = arith.subi %sub3A_129, %rem3A_62 : i32
        %add3A_131 = arith.addi %mul3A_2, %sub3A_128 : i32
        %dma_wait3A_132 = arith.constant 0 : i32
        %dma_wait3A_133 = arith.constant 0 : i32
        %dma_wait3A_134 = tpu.memref_slice %arg9[%sub3A_130, %dma_wait3A_132, %dma_wait3A_133] : memref<2x20x1664xf32, #tpu.memory_space<vmem>> -> memref<1x20x1664xf32, #tpu.memory_space<vmem>>
        %dma_wait3A_135 = tpu.memref_squeeze %dma_wait3A_134 : memref<1x20x1664xf32, #tpu.memory_space<vmem>> -> memref<20x1664xf32, #tpu.memory_space<vmem>>
        %dma_wait3A_136 = arith.constant 0 : i32
        %dma_wait3A_137 = arith.constant 0 : i32
        %dma_wait3A_138 = tpu.memref_slice %arg6[%add3A_131, %dma_wait3A_136, %dma_wait3A_137] : memref<1024x20x1664xf32, #tpu.memory_space<hbm>> -> memref<1x20x1664xf32, #tpu.memory_space<hbm>>
        %dma_wait3A_139 = tpu.memref_squeeze %dma_wait3A_138 : memref<1x20x1664xf32, #tpu.memory_space<hbm>> -> memref<20x1664xf32, #tpu.memory_space<hbm>>
        %dma_wait3A_140 = tpu.memref_slice %arg14[%sub3A_130] : memref<2x!tpu.dma_semaphore, #tpu.memory_space<semaphore_mem>> -> memref<1x!tpu.dma_semaphore, #tpu.memory_space<semaphore_mem>>
        %dma_wait3A_141 = tpu.memref_squeeze %dma_wait3A_140 : memref<1x!tpu.dma_semaphore, #tpu.memory_space<semaphore_mem>> -> memref<!tpu.dma_semaphore, #tpu.memory_space<semaphore_mem>>
        %dma_wait3A_142 = arith.constant 0 : i32
        %dma_wait3A_143 = arith.constant 0 : i32
        %dma_wait3A_144 = tpu.memref_slice %arg6[%add3A_131, %dma_wait3A_142, %dma_wait3A_143] : memref<1024x20x1664xf32, #tpu.memory_space<hbm>> -> memref<1x20x1664xf32, #tpu.memory_space<hbm>>
        %dma_wait3A_145 = tpu.memref_squeeze %dma_wait3A_144 : memref<1x20x1664xf32, #tpu.memory_space<hbm>> -> memref<20x1664xf32, #tpu.memory_space<hbm>>
        %dma_wait3A_146 = arith.constant 0 : i32
        %dma_wait3A_147 = arith.constant 0 : i32
        %dma_wait3A_148 = tpu.memref_slice %arg9[%sub3A_130, %dma_wait3A_146, %dma_wait3A_147] : memref<2x20x1664xf32, #tpu.memory_space<vmem>> -> memref<1x20x1664xf32, #tpu.memory_space<vmem>>
        %dma_wait3A_149 = tpu.memref_squeeze %dma_wait3A_148 : memref<1x20x1664xf32, #tpu.memory_space<vmem>> -> memref<20x1664xf32, #tpu.memory_space<vmem>>
        tpu.wait_dma2 semaphore(%dma_wait3A_141 : memref<!tpu.dma_semaphore, #tpu.memory_space<semaphore_mem>>) src(%dma_wait3A_149 : memref<20x1664xf32, #tpu.memory_space<vmem>>) dst(%dma_wait3A_145 : memref<20x1664xf32, #tpu.memory_space<hbm>>)
      } else {
      }
      %add3A_65 = arith.constant 1 : i32
      %add3A_66 = arith.addi %scan3A_60, %add3A_65 : i32
      %lt3A = arith.constant 32 : i32
      %lt3A_67 = arith.cmpi slt, %add3A_66, %lt3A : i32
      %convert_element_type3A_68 = arith.extui %lt3A_67 : i1 to i32
      %cond3A_69 = arith.constant 0 : i32
      %cond3A_70 = arith.cmpi ne, %convert_element_type3A_68, %cond3A_69 : i32
      scf.if %cond3A_70 {
        %add3A_128 = arith.constant 1 : i32
        %add3A_129 = arith.addi %scan3A_60, %add3A_128 : i32
        %sub3A = arith.constant 1 : i32
        %sub3A_130 = arith.subi %sub3A, %rem3A_62 : i32
        %add3A_131 = arith.addi %mul3A_2, %add3A_129 : i32
        %dma_start3A_132 = arith.constant 0 : i32
        %dma_start3A_133 = arith.constant 0 : i32
        %dma_start3A_134 = tpu.memref_slice %arg9[%sub3A_130, %dma_start3A_132, %dma_start3A_133] : memref<2x20x1664xf32, #tpu.memory_space<vmem>> -> memref<1x20x1664xf32, #tpu.memory_space<vmem>>
        %dma_start3A_135 = tpu.memref_squeeze %dma_start3A_134 : memref<1x20x1664xf32, #tpu.memory_space<vmem>> -> memref<20x1664xf32, #tpu.memory_space<vmem>>
        %dma_start3A_136 = arith.constant 0 : i32
        %dma_start3A_137 = arith.constant 0 : i32
        %dma_start3A_138 = tpu.memref_slice %arg2[%add3A_131, %dma_start3A_136, %dma_start3A_137] : memref<1024x20x1664xf32, #tpu.memory_space<hbm>> -> memref<1x20x1664xf32, #tpu.memory_space<hbm>>
        %dma_start3A_139 = tpu.memref_squeeze %dma_start3A_138 : memref<1x20x1664xf32, #tpu.memory_space<hbm>> -> memref<20x1664xf32, #tpu.memory_space<hbm>>
        %dma_start3A_140 = tpu.memref_slice %arg12[%sub3A_130] : memref<2x!tpu.dma_semaphore, #tpu.memory_space<semaphore_mem>> -> memref<1x!tpu.dma_semaphore, #tpu.memory_space<semaphore_mem>>
        %dma_start3A_141 = tpu.memref_squeeze %dma_start3A_140 : memref<1x!tpu.dma_semaphore, #tpu.memory_space<semaphore_mem>> -> memref<!tpu.dma_semaphore, #tpu.memory_space<semaphore_mem>>
        %dma_start3A_142 = arith.constant 0 : i32
        %dma_start3A_143 = arith.constant 0 : i32
        %dma_start3A_144 = tpu.memref_slice %arg9[%sub3A_130, %dma_start3A_142, %dma_start3A_143] : memref<2x20x1664xf32, #tpu.memory_space<vmem>> -> memref<1x20x1664xf32, #tpu.memory_space<vmem>>
        %dma_start3A_145 = tpu.memref_squeeze %dma_start3A_144 : memref<1x20x1664xf32, #tpu.memory_space<vmem>> -> memref<20x1664xf32, #tpu.memory_space<vmem>>
        %dma_start3A_146 = arith.constant 0 : i32
        %dma_start3A_147 = arith.constant 0 : i32
        %dma_start3A_148 = tpu.memref_slice %arg2[%add3A_131, %dma_start3A_146, %dma_start3A_147] : memref<1024x20x1664xf32, #tpu.memory_space<hbm>> -> memref<1x20x1664xf32, #tpu.memory_space<hbm>>
        %dma_start3A_149 = tpu.memref_squeeze %dma_start3A_148 : memref<1x20x1664xf32, #tpu.memory_space<hbm>> -> memref<20x1664xf32, #tpu.memory_space<hbm>>
        tpu.enqueue_dma source(%dma_start3A_149 : memref<20x1664xf32, #tpu.memory_space<hbm>>) target(%dma_start3A_145 : memref<20x1664xf32, #tpu.memory_space<vmem>>) target_semaphore(%dma_start3A_141 : memref<!tpu.dma_semaphore, #tpu.memory_space<semaphore_mem>>)
      } else {
      }
      %add3A_71 = arith.addi %mul3A_2, %scan3A_60 : i32
      %dma_wait3A_72 = arith.constant 0 : i32
      %dma_wait3A_73 = arith.constant 0 : i32
      %dma_wait3A_74 = tpu.memref_slice %arg9[%rem3A_62, %dma_wait3A_72, %dma_wait3A_73] : memref<2x20x1664xf32, #tpu.memory_space<vmem>> -> memref<1x20x1664xf32, #tpu.memory_space<vmem>>
      %dma_wait3A_75 = tpu.memref_squeeze %dma_wait3A_74 : memref<1x20x1664xf32, #tpu.memory_space<vmem>> -> memref<20x1664xf32, #tpu.memory_space<vmem>>
      %dma_wait3A_76 = arith.constant 0 : i32
      %dma_wait3A_77 = arith.constant 0 : i32
      %dma_wait3A_78 = tpu.memref_slice %arg2[%add3A_71, %dma_wait3A_76, %dma_wait3A_77] : memref<1024x20x1664xf32, #tpu.memory_space<hbm>> -> memref<1x20x1664xf32, #tpu.memory_space<hbm>>
      %dma_wait3A_79 = tpu.memref_squeeze %dma_wait3A_78 : memref<1x20x1664xf32, #tpu.memory_space<hbm>> -> memref<20x1664xf32, #tpu.memory_space<hbm>>
      %dma_wait3A_80 = tpu.memref_slice %arg12[%rem3A_62] : memref<2x!tpu.dma_semaphore, #tpu.memory_space<semaphore_mem>> -> memref<1x!tpu.dma_semaphore, #tpu.memory_space<semaphore_mem>>
      %dma_wait3A_81 = tpu.memref_squeeze %dma_wait3A_80 : memref<1x!tpu.dma_semaphore, #tpu.memory_space<semaphore_mem>> -> memref<!tpu.dma_semaphore, #tpu.memory_space<semaphore_mem>>
      %dma_wait3A_82 = arith.constant 0 : i32
      %dma_wait3A_83 = arith.constant 0 : i32
      %dma_wait3A_84 = tpu.memref_slice %arg9[%rem3A_62, %dma_wait3A_82, %dma_wait3A_83] : memref<2x20x1664xf32, #tpu.memory_space<vmem>> -> memref<1x20x1664xf32, #tpu.memory_space<vmem>>
      %dma_wait3A_85 = tpu.memref_squeeze %dma_wait3A_84 : memref<1x20x1664xf32, #tpu.memory_space<vmem>> -> memref<20x1664xf32, #tpu.memory_space<vmem>>
      %dma_wait3A_86 = arith.constant 0 : i32
      %dma_wait3A_87 = arith.constant 0 : i32
      %dma_wait3A_88 = tpu.memref_slice %arg2[%add3A_71, %dma_wait3A_86, %dma_wait3A_87] : memref<1024x20x1664xf32, #tpu.memory_space<hbm>> -> memref<1x20x1664xf32, #tpu.memory_space<hbm>>
      %dma_wait3A_89 = tpu.memref_squeeze %dma_wait3A_88 : memref<1x20x1664xf32, #tpu.memory_space<hbm>> -> memref<20x1664xf32, #tpu.memory_space<hbm>>
      tpu.wait_dma2 semaphore(%dma_wait3A_81 : memref<!tpu.dma_semaphore, #tpu.memory_space<semaphore_mem>>) src(%dma_wait3A_89 : memref<20x1664xf32, #tpu.memory_space<hbm>>) dst(%dma_wait3A_85 : memref<20x1664xf32, #tpu.memory_space<vmem>>)
      %ge3A_90 = arith.constant 1 : i32
      %ge3A_91 = arith.cmpi sge, %scan3A_60, %ge3A_90 : i32
      %convert_element_type3A_92 = arith.extui %ge3A_91 : i1 to i32
      %cond3A_93 = arith.constant 0 : i32
      %cond3A_94 = arith.cmpi ne, %convert_element_type3A_92, %cond3A_93 : i32
      scf.if %cond3A_94 {
        %sub3A = arith.constant 1 : i32
        %sub3A_128 = arith.subi %scan3A_60, %sub3A : i32
        %add3A_129 = arith.addi %mul3A_2, %sub3A_128 : i32
        %dma_wait3A_130 = arith.constant 0 : i32
        %dma_wait3A_131 = arith.constant 0 : i32
        %dma_wait3A_132 = tpu.memref_slice %arg5[%add3A_129, %dma_wait3A_130, %dma_wait3A_131] : memref<1024x20x1664xf32, #tpu.memory_space<hbm>> -> memref<1x20x1664xf32, #tpu.memory_space<hbm>>
        %dma_wait3A_133 = tpu.memref_squeeze %dma_wait3A_132 : memref<1x20x1664xf32, #tpu.memory_space<hbm>> -> memref<20x1664xf32, #tpu.memory_space<hbm>>
        %dma_wait3A_134 = arith.constant 0 : i32
        %dma_wait3A_135 = arith.constant 0 : i32
        %dma_wait3A_136 = tpu.memref_slice %arg5[%add3A_129, %dma_wait3A_134, %dma_wait3A_135] : memref<1024x20x1664xf32, #tpu.memory_space<hbm>> -> memref<1x20x1664xf32, #tpu.memory_space<hbm>>
        %dma_wait3A_137 = tpu.memref_squeeze %dma_wait3A_136 : memref<1x20x1664xf32, #tpu.memory_space<hbm>> -> memref<20x1664xf32, #tpu.memory_space<hbm>>
        tpu.wait_dma2 semaphore(%arg13 : memref<!tpu.dma_semaphore, #tpu.memory_space<semaphore_mem>>) src(%arg10 : memref<20x1664xf32, #tpu.memory_space<vmem>>) dst(%dma_wait3A_137 : memref<20x1664xf32, #tpu.memory_space<hbm>>)
      } else {
      }
      %parallel_loop3A = arith.constant 0 : i32
      %parallel_loop3A_95 = arith.constant 104 : i32
      %parallel_loop3A_96 = arith.constant 1 : i32
      scf.for %parallel_loop3A_128 = %parallel_loop3A to %parallel_loop3A_95 step %parallel_loop3A_96  : i32 {
        %parallel_loop3A_129 = arith.constant 16 : i32
        %parallel_loop3A_130 = arith.muli %parallel_loop3A_128, %parallel_loop3A_129 : i32
        %parallel_loop3A_131 = arith.index_cast %parallel_loop3A_130 : i32 to index
        %parallel_loop3A_132 = tpu.vector_load %arg7[%parallel_loop3A_131] {strides = array<i32>} : memref<1664xf32, #tpu.memory_space<vmem>>, vector<16xf32>,
        %parallel_loop3A_133 = vector.shape_cast %parallel_loop3A_132 : vector<16xf32> to vector<16xf32>
        %parallel_loop3A_134 = arith.constant 0 : i32
        %parallel_loop3A_135 = arith.constant 0 : i32
        %parallel_loop3A_136 = arith.constant 0 : i32
        %parallel_loop3A_137 = tpu.memref_slice %arg9[%rem3A_62, %parallel_loop3A_135, %parallel_loop3A_136] : memref<2x20x1664xf32, #tpu.memory_space<vmem>> -> memref<1x20x1664xf32, #tpu.memory_space<vmem>>
        %parallel_loop3A_138 = tpu.memref_squeeze %parallel_loop3A_137 : memref<1x20x1664xf32, #tpu.memory_space<vmem>> -> memref<20x1664xf32, #tpu.memory_space<vmem>>
        %parallel_loop3A_139 = arith.index_cast %parallel_loop3A_134 : i32 to index
        %parallel_loop3A_140 = arith.index_cast %parallel_loop3A_130 : i32 to index
        %parallel_loop3A_141 = tpu.vector_load %parallel_loop3A_138[%parallel_loop3A_139, %parallel_loop3A_140] {strides = array<i32>} : memref<20x1664xf32, #tpu.memory_space<vmem>>, vector<1x16xf32>,
        %parallel_loop3A_142 = vector.shape_cast %parallel_loop3A_141 : vector<1x16xf32> to vector<16xf32>
        %parallel_loop3A_143 = arith.mulf %parallel_loop3A_142, %parallel_loop3A_133 : vector<16xf32>
        %parallel_loop3A_144 = arith.constant 0 : i32
        %parallel_loop3A_145 = arith.index_cast %parallel_loop3A_144 : i32 to index
        %parallel_loop3A_146 = arith.index_cast %parallel_loop3A_130 : i32 to index
        %parallel_loop3A_147 = tpu.vector_load %arg10[%parallel_loop3A_145, %parallel_loop3A_146] {strides = array<i32>} : memref<20x1664xf32, #tpu.memory_space<vmem>>, vector<1x16xf32>,
        %parallel_loop3A_148 = vector.shape_cast %parallel_loop3A_147 : vector<1x16xf32> to vector<16xf32>
        %parallel_loop3A_149 = vector.shape_cast %parallel_loop3A_143 : vector<16xf32> to vector<1x16xf32>
        tpu.vector_store %arg10[%parallel_loop3A_145, %parallel_loop3A_146], %parallel_loop3A_149 {strides = array<i32>} : memref<20x1664xf32, #tpu.memory_space<vmem>>, vector<1x16xf32>,
        %parallel_loop3A_150 = arith.constant 1 : i32
        %parallel_loop3A_151 = arith.constant 0 : i32
        %parallel_loop3A_152 = arith.constant 0 : i32
        %parallel_loop3A_153 = tpu.memref_slice %arg9[%rem3A_62, %parallel_loop3A_151, %parallel_loop3A_152] : memref<2x20x1664xf32, #tpu.memory_space<vmem>> -> memref<1x20x1664xf32, #tpu.memory_space<vmem>>
        %parallel_loop3A_154 = tpu.memref_squeeze %parallel_loop3A_153 : memref<1x20x1664xf32, #tpu.memory_space<vmem>> -> memref<20x1664xf32, #tpu.memory_space<vmem>>
        %parallel_loop3A_155 = arith.index_cast %parallel_loop3A_150 : i32 to index
        %parallel_loop3A_156 = arith.index_cast %parallel_loop3A_130 : i32 to index
        %parallel_loop3A_157 = tpu.vector_load %parallel_loop3A_154[%parallel_loop3A_155, %parallel_loop3A_156] {strides = array<i32>} : memref<20x1664xf32, #tpu.memory_space<vmem>>, vector<1x16xf32>,
        %parallel_loop3A_158 = vector.shape_cast %parallel_loop3A_157 : vector<1x16xf32> to vector<16xf32>
        %parallel_loop3A_159 = arith.mulf %parallel_loop3A_158, %parallel_loop3A_133 : vector<16xf32>
        %parallel_loop3A_160 = arith.constant 1 : i32
        %parallel_loop3A_161 = arith.index_cast %parallel_loop3A_160 : i32 to index
        %parallel_loop3A_162 = arith.index_cast %parallel_loop3A_130 : i32 to index
        %parallel_loop3A_163 = tpu.vector_load %arg10[%parallel_loop3A_161, %parallel_loop3A_162] {strides = array<i32>} : memref<20x1664xf32, #tpu.memory_space<vmem>>, vector<1x16xf32>,
        %parallel_loop3A_164 = vector.shape_cast %parallel_loop3A_163 : vector<1x16xf32> to vector<16xf32>
        %parallel_loop3A_165 = vector.shape_cast %parallel_loop3A_159 : vector<16xf32> to vector<1x16xf32>
        tpu.vector_store %arg10[%parallel_loop3A_161, %parallel_loop3A_162], %parallel_loop3A_165 {strides = array<i32>} : memref<20x1664xf32, #tpu.memory_space<vmem>>, vector<1x16xf32>,
        %parallel_loop3A_166 = arith.constant 2 : i32
        %parallel_loop3A_167 = arith.constant 0 : i32
        %parallel_loop3A_168 = arith.constant 0 : i32
        %parallel_loop3A_169 = tpu.memref_slice %arg9[%rem3A_62, %parallel_loop3A_167, %parallel_loop3A_168] : memref<2x20x1664xf32, #tpu.memory_space<vmem>> -> memref<1x20x1664xf32, #tpu.memory_space<vmem>>
        %parallel_loop3A_170 = tpu.memref_squeeze %parallel_loop3A_169 : memref<1x20x1664xf32, #tpu.memory_space<vmem>> -> memref<20x1664xf32, #tpu.memory_space<vmem>>
        %parallel_loop3A_171 = arith.index_cast %parallel_loop3A_166 : i32 to index
        %parallel_loop3A_172 = arith.index_cast %parallel_loop3A_130 : i32 to index
        %parallel_loop3A_173 = tpu.vector_load %parallel_loop3A_170[%parallel_loop3A_171, %parallel_loop3A_172] {strides = array<i32>} : memref<20x1664xf32, #tpu.memory_space<vmem>>, vector<1x16xf32>,
        %parallel_loop3A_174 = vector.shape_cast %parallel_loop3A_173 : vector<1x16xf32> to vector<16xf32>
        %parallel_loop3A_175 = arith.mulf %parallel_loop3A_174, %parallel_loop3A_133 : vector<16xf32>
        %parallel_loop3A_176 = arith.constant 2 : i32
        %parallel_loop3A_177 = arith.index_cast %parallel_loop3A_176 : i32 to index
        %parallel_loop3A_178 = arith.index_cast %parallel_loop3A_130 : i32 to index
        %parallel_loop3A_179 = tpu.vector_load %arg10[%parallel_loop3A_177, %parallel_loop3A_178] {strides = array<i32>} : memref<20x1664xf32, #tpu.memory_space<vmem>>, vector<1x16xf32>,
        %parallel_loop3A_180 = vector.shape_cast %parallel_loop3A_179 : vector<1x16xf32> to vector<16xf32>
        %parallel_loop3A_181 = vector.shape_cast %parallel_loop3A_175 : vector<16xf32> to vector<1x16xf32>
        tpu.vector_store %arg10[%parallel_loop3A_177, %parallel_loop3A_178], %parallel_loop3A_181 {strides = array<i32>} : memref<20x1664xf32, #tpu.memory_space<vmem>>, vector<1x16xf32>,
        %parallel_loop3A_182 = arith.constant 3 : i32
        %parallel_loop3A_183 = arith.constant 0 : i32
        %parallel_loop3A_184 = arith.constant 0 : i32
        %parallel_loop3A_185 = tpu.memref_slice %arg9[%rem3A_62, %parallel_loop3A_183, %parallel_loop3A_184] : memref<2x20x1664xf32, #tpu.memory_space<vmem>> -> memref<1x20x1664xf32, #tpu.memory_space<vmem>>
        %parallel_loop3A_186 = tpu.memref_squeeze %parallel_loop3A_185 : memref<1x20x1664xf32, #tpu.memory_space<vmem>> -> memref<20x1664xf32, #tpu.memory_space<vmem>>
        %parallel_loop3A_187 = arith.index_cast %parallel_loop3A_182 : i32 to index
        %parallel_loop3A_188 = arith.index_cast %parallel_loop3A_130 : i32 to index
        %parallel_loop3A_189 = tpu.vector_load %parallel_loop3A_186[%parallel_loop3A_187, %parallel_loop3A_188] {strides = array<i32>} : memref<20x1664xf32, #tpu.memory_space<vmem>>, vector<1x16xf32>,
        %parallel_loop3A_190 = vector.shape_cast %parallel_loop3A_189 : vector<1x16xf32> to vector<16xf32>
        %parallel_loop3A_191 = arith.mulf %parallel_loop3A_190, %parallel_loop3A_133 : vector<16xf32>
        %parallel_loop3A_192 = arith.constant 3 : i32
        %parallel_loop3A_193 = arith.index_cast %parallel_loop3A_192 : i32 to index
        %parallel_loop3A_194 = arith.index_cast %parallel_loop3A_130 : i32 to index
        %parallel_loop3A_195 = tpu.vector_load %arg10[%parallel_loop3A_193, %parallel_loop3A_194] {strides = array<i32>} : memref<20x1664xf32, #tpu.memory_space<vmem>>, vector<1x16xf32>,
        %parallel_loop3A_196 = vector.shape_cast %parallel_loop3A_195 : vector<1x16xf32> to vector<16xf32>
        %parallel_loop3A_197 = vector.shape_cast %parallel_loop3A_191 : vector<16xf32> to vector<1x16xf32>
        tpu.vector_store %arg10[%parallel_loop3A_193, %parallel_loop3A_194], %parallel_loop3A_197 {strides = array<i32>} : memref<20x1664xf32, #tpu.memory_space<vmem>>, vector<1x16xf32>,
        %parallel_loop3A_198 = arith.constant 4 : i32
        %parallel_loop3A_199 = arith.constant 0 : i32
        %parallel_loop3A_200 = arith.constant 0 : i32
        %parallel_loop3A_201 = tpu.memref_slice %arg9[%rem3A_62, %parallel_loop3A_199, %parallel_loop3A_200] : memref<2x20x1664xf32, #tpu.memory_space<vmem>> -> memref<1x20x1664xf32, #tpu.memory_space<vmem>>
        %parallel_loop3A_202 = tpu.memref_squeeze %parallel_loop3A_201 : memref<1x20x1664xf32, #tpu.memory_space<vmem>> -> memref<20x1664xf32, #tpu.memory_space<vmem>>
        %parallel_loop3A_203 = arith.index_cast %parallel_loop3A_198 : i32 to index
        %parallel_loop3A_204 = arith.index_cast %parallel_loop3A_130 : i32 to index
        %parallel_loop3A_205 = tpu.vector_load %parallel_loop3A_202[%parallel_loop3A_203, %parallel_loop3A_204] {strides = array<i32>} : memref<20x1664xf32, #tpu.memory_space<vmem>>, vector<1x16xf32>,
        %parallel_loop3A_206 = vector.shape_cast %parallel_loop3A_205 : vector<1x16xf32> to vector<16xf32>
        %parallel_loop3A_207 = arith.mulf %parallel_loop3A_206, %parallel_loop3A_133 : vector<16xf32>
        %parallel_loop3A_208 = arith.constant 4 : i32
        %parallel_loop3A_209 = arith.index_cast %parallel_loop3A_208 : i32 to index
        %parallel_loop3A_210 = arith.index_cast %parallel_loop3A_130 : i32 to index
        %parallel_loop3A_211 = tpu.vector_load %arg10[%parallel_loop3A_209, %parallel_loop3A_210] {strides = array<i32>} : memref<20x1664xf32, #tpu.memory_space<vmem>>, vector<1x16xf32>,
        %parallel_loop3A_212 = vector.shape_cast %parallel_loop3A_211 : vector<1x16xf32> to vector<16xf32>
        %parallel_loop3A_213 = vector.shape_cast %parallel_loop3A_207 : vector<16xf32> to vector<1x16xf32>
        tpu.vector_store %arg10[%parallel_loop3A_209, %parallel_loop3A_210], %parallel_loop3A_213 {strides = array<i32>} : memref<20x1664xf32, #tpu.memory_space<vmem>>, vector<1x16xf32>,
        %parallel_loop3A_214 = arith.constant 5 : i32
        %parallel_loop3A_215 = arith.constant 0 : i32
        %parallel_loop3A_216 = arith.constant 0 : i32
        %parallel_loop3A_217 = tpu.memref_slice %arg9[%rem3A_62, %parallel_loop3A_215, %parallel_loop3A_216] : memref<2x20x1664xf32, #tpu.memory_space<vmem>> -> memref<1x20x1664xf32, #tpu.memory_space<vmem>>
        %parallel_loop3A_218 = tpu.memref_squeeze %parallel_loop3A_217 : memref<1x20x1664xf32, #tpu.memory_space<vmem>> -> memref<20x1664xf32, #tpu.memory_space<vmem>>
        %parallel_loop3A_219 = arith.index_cast %parallel_loop3A_214 : i32 to index
        %parallel_loop3A_220 = arith.index_cast %parallel_loop3A_130 : i32 to index
        %parallel_loop3A_221 = tpu.vector_load %parallel_loop3A_218[%parallel_loop3A_219, %parallel_loop3A_220] {strides = array<i32>} : memref<20x1664xf32, #tpu.memory_space<vmem>>, vector<1x16xf32>,
        %parallel_loop3A_222 = vector.shape_cast %parallel_loop3A_221 : vector<1x16xf32> to vector<16xf32>
        %parallel_loop3A_223 = arith.mulf %parallel_loop3A_222, %parallel_loop3A_133 : vector<16xf32>
        %parallel_loop3A_224 = arith.constant 5 : i32
        %parallel_loop3A_225 = arith.index_cast %parallel_loop3A_224 : i32 to index
        %parallel_loop3A_226 = arith.index_cast %parallel_loop3A_130 : i32 to index
        %parallel_loop3A_227 = tpu.vector_load %arg10[%parallel_loop3A_225, %parallel_loop3A_226] {strides = array<i32>} : memref<20x1664xf32, #tpu.memory_space<vmem>>, vector<1x16xf32>,
        %parallel_loop3A_228 = vector.shape_cast %parallel_loop3A_227 : vector<1x16xf32> to vector<16xf32>
        %parallel_loop3A_229 = vector.shape_cast %parallel_loop3A_223 : vector<16xf32> to vector<1x16xf32>
        tpu.vector_store %arg10[%parallel_loop3A_225, %parallel_loop3A_226], %parallel_loop3A_229 {strides = array<i32>} : memref<20x1664xf32, #tpu.memory_space<vmem>>, vector<1x16xf32>,
        %parallel_loop3A_230 = arith.constant 6 : i32
        %parallel_loop3A_231 = arith.constant 0 : i32
        %parallel_loop3A_232 = arith.constant 0 : i32
        %parallel_loop3A_233 = tpu.memref_slice %arg9[%rem3A_62, %parallel_loop3A_231, %parallel_loop3A_232] : memref<2x20x1664xf32, #tpu.memory_space<vmem>> -> memref<1x20x1664xf32, #tpu.memory_space<vmem>>
        %parallel_loop3A_234 = tpu.memref_squeeze %parallel_loop3A_233 : memref<1x20x1664xf32, #tpu.memory_space<vmem>> -> memref<20x1664xf32, #tpu.memory_space<vmem>>
        %parallel_loop3A_235 = arith.index_cast %parallel_loop3A_230 : i32 to index
        %parallel_loop3A_236 = arith.index_cast %parallel_loop3A_130 : i32 to index
        %parallel_loop3A_237 = tpu.vector_load %parallel_loop3A_234[%parallel_loop3A_235, %parallel_loop3A_236] {strides = array<i32>} : memref<20x1664xf32, #tpu.memory_space<vmem>>, vector<1x16xf32>,
        %parallel_loop3A_238 = vector.shape_cast %parallel_loop3A_237 : vector<1x16xf32> to vector<16xf32>
        %parallel_loop3A_239 = arith.mulf %parallel_loop3A_238, %parallel_loop3A_133 : vector<16xf32>
        %parallel_loop3A_240 = arith.constant 6 : i32
        %parallel_loop3A_241 = arith.index_cast %parallel_loop3A_240 : i32 to index
        %parallel_loop3A_242 = arith.index_cast %parallel_loop3A_130 : i32 to index
        %parallel_loop3A_243 = tpu.vector_load %arg10[%parallel_loop3A_241, %parallel_loop3A_242] {strides = array<i32>} : memref<20x1664xf32, #tpu.memory_space<vmem>>, vector<1x16xf32>,
        %parallel_loop3A_244 = vector.shape_cast %parallel_loop3A_243 : vector<1x16xf32> to vector<16xf32>
        %parallel_loop3A_245 = vector.shape_cast %parallel_loop3A_239 : vector<16xf32> to vector<1x16xf32>
        tpu.vector_store %arg10[%parallel_loop3A_241, %parallel_loop3A_242], %parallel_loop3A_245 {strides = array<i32>} : memref<20x1664xf32, #tpu.memory_space<vmem>>, vector<1x16xf32>,
        %parallel_loop3A_246 = arith.constant 7 : i32
        %parallel_loop3A_247 = arith.constant 0 : i32
        %parallel_loop3A_248 = arith.constant 0 : i32
        %parallel_loop3A_249 = tpu.memref_slice %arg9[%rem3A_62, %parallel_loop3A_247, %parallel_loop3A_248] : memref<2x20x1664xf32, #tpu.memory_space<vmem>> -> memref<1x20x1664xf32, #tpu.memory_space<vmem>>
        %parallel_loop3A_250 = tpu.memref_squeeze %parallel_loop3A_249 : memref<1x20x1664xf32, #tpu.memory_space<vmem>> -> memref<20x1664xf32, #tpu.memory_space<vmem>>
        %parallel_loop3A_251 = arith.index_cast %parallel_loop3A_246 : i32 to index
        %parallel_loop3A_252 = arith.index_cast %parallel_loop3A_130 : i32 to index
        %parallel_loop3A_253 = tpu.vector_load %parallel_loop3A_250[%parallel_loop3A_251, %parallel_loop3A_252] {strides = array<i32>} : memref<20x1664xf32, #tpu.memory_space<vmem>>, vector<1x16xf32>,
        %parallel_loop3A_254 = vector.shape_cast %parallel_loop3A_253 : vector<1x16xf32> to vector<16xf32>
        %parallel_loop3A_255 = arith.mulf %parallel_loop3A_254, %parallel_loop3A_133 : vector<16xf32>
        %parallel_loop3A_256 = arith.constant 7 : i32
        %parallel_loop3A_257 = arith.index_cast %parallel_loop3A_256 : i32 to index
        %parallel_loop3A_258 = arith.index_cast %parallel_loop3A_130 : i32 to index
        %parallel_loop3A_259 = tpu.vector_load %arg10[%parallel_loop3A_257, %parallel_loop3A_258] {strides = array<i32>} : memref<20x1664xf32, #tpu.memory_space<vmem>>, vector<1x16xf32>,
        %parallel_loop3A_260 = vector.shape_cast %parallel_loop3A_259 : vector<1x16xf32> to vector<16xf32>
        %parallel_loop3A_261 = vector.shape_cast %parallel_loop3A_255 : vector<16xf32> to vector<1x16xf32>
        tpu.vector_store %arg10[%parallel_loop3A_257, %parallel_loop3A_258], %parallel_loop3A_261 {strides = array<i32>} : memref<20x1664xf32, #tpu.memory_space<vmem>>, vector<1x16xf32>,
        %parallel_loop3A_262 = arith.constant 8 : i32
        %parallel_loop3A_263 = arith.constant 0 : i32
        %parallel_loop3A_264 = arith.constant 0 : i32
        %parallel_loop3A_265 = tpu.memref_slice %arg9[%rem3A_62, %parallel_loop3A_263, %parallel_loop3A_264] : memref<2x20x1664xf32, #tpu.memory_space<vmem>> -> memref<1x20x1664xf32, #tpu.memory_space<vmem>>
        %parallel_loop3A_266 = tpu.memref_squeeze %parallel_loop3A_265 : memref<1x20x1664xf32, #tpu.memory_space<vmem>> -> memref<20x1664xf32, #tpu.memory_space<vmem>>
        %parallel_loop3A_267 = arith.index_cast %parallel_loop3A_262 : i32 to index
        %parallel_loop3A_268 = arith.index_cast %parallel_loop3A_130 : i32 to index
        %parallel_loop3A_269 = tpu.vector_load %parallel_loop3A_266[%parallel_loop3A_267, %parallel_loop3A_268] {strides = array<i32>} : memref<20x1664xf32, #tpu.memory_space<vmem>>, vector<1x16xf32>,
        %parallel_loop3A_270 = vector.shape_cast %parallel_loop3A_269 : vector<1x16xf32> to vector<16xf32>
        %parallel_loop3A_271 = arith.mulf %parallel_loop3A_270, %parallel_loop3A_133 : vector<16xf32>
        %parallel_loop3A_272 = arith.constant 8 : i32
        %parallel_loop3A_273 = arith.index_cast %parallel_loop3A_272 : i32 to index
        %parallel_loop3A_274 = arith.index_cast %parallel_loop3A_130 : i32 to index
        %parallel_loop3A_275 = tpu.vector_load %arg10[%parallel_loop3A_273, %parallel_loop3A_274] {strides = array<i32>} : memref<20x1664xf32, #tpu.memory_space<vmem>>, vector<1x16xf32>,
        %parallel_loop3A_276 = vector.shape_cast %parallel_loop3A_275 : vector<1x16xf32> to vector<16xf32>
        %parallel_loop3A_277 = vector.shape_cast %parallel_loop3A_271 : vector<16xf32> to vector<1x16xf32>
        tpu.vector_store %arg10[%parallel_loop3A_273, %parallel_loop3A_274], %parallel_loop3A_277 {strides = array<i32>} : memref<20x1664xf32, #tpu.memory_space<vmem>>, vector<1x16xf32>,
        %parallel_loop3A_278 = arith.constant 9 : i32
        %parallel_loop3A_279 = arith.constant 0 : i32
        %parallel_loop3A_280 = arith.constant 0 : i32
        %parallel_loop3A_281 = tpu.memref_slice %arg9[%rem3A_62, %parallel_loop3A_279, %parallel_loop3A_280] : memref<2x20x1664xf32, #tpu.memory_space<vmem>> -> memref<1x20x1664xf32, #tpu.memory_space<vmem>>
        %parallel_loop3A_282 = tpu.memref_squeeze %parallel_loop3A_281 : memref<1x20x1664xf32, #tpu.memory_space<vmem>> -> memref<20x1664xf32, #tpu.memory_space<vmem>>
        %parallel_loop3A_283 = arith.index_cast %parallel_loop3A_278 : i32 to index
        %parallel_loop3A_284 = arith.index_cast %parallel_loop3A_130 : i32 to index
        %parallel_loop3A_285 = tpu.vector_load %parallel_loop3A_282[%parallel_loop3A_283, %parallel_loop3A_284] {strides = array<i32>} : memref<20x1664xf32, #tpu.memory_space<vmem>>, vector<1x16xf32>,
        %parallel_loop3A_286 = vector.shape_cast %parallel_loop3A_285 : vector<1x16xf32> to vector<16xf32>
        %parallel_loop3A_287 = arith.mulf %parallel_loop3A_286, %parallel_loop3A_133 : vector<16xf32>
        %parallel_loop3A_288 = arith.constant 9 : i32
        %parallel_loop3A_289 = arith.index_cast %parallel_loop3A_288 : i32 to index
        %parallel_loop3A_290 = arith.index_cast %parallel_loop3A_130 : i32 to index
        %parallel_loop3A_291 = tpu.vector_load %arg10[%parallel_loop3A_289, %parallel_loop3A_290] {strides = array<i32>} : memref<20x1664xf32, #tpu.memory_space<vmem>>, vector<1x16xf32>,
        %parallel_loop3A_292 = vector.shape_cast %parallel_loop3A_291 : vector<1x16xf32> to vector<16xf32>
        %parallel_loop3A_293 = vector.shape_cast %parallel_loop3A_287 : vector<16xf32> to vector<1x16xf32>
        tpu.vector_store %arg10[%parallel_loop3A_289, %parallel_loop3A_290], %parallel_loop3A_293 {strides = array<i32>} : memref<20x1664xf32, #tpu.memory_space<vmem>>, vector<1x16xf32>,
        %parallel_loop3A_294 = arith.constant 10 : i32
        %parallel_loop3A_295 = arith.constant 0 : i32
        %parallel_loop3A_296 = arith.constant 0 : i32
        %parallel_loop3A_297 = tpu.memref_slice %arg9[%rem3A_62, %parallel_loop3A_295, %parallel_loop3A_296] : memref<2x20x1664xf32, #tpu.memory_space<vmem>> -> memref<1x20x1664xf32, #tpu.memory_space<vmem>>
        %parallel_loop3A_298 = tpu.memref_squeeze %parallel_loop3A_297 : memref<1x20x1664xf32, #tpu.memory_space<vmem>> -> memref<20x1664xf32, #tpu.memory_space<vmem>>
        %parallel_loop3A_299 = arith.index_cast %parallel_loop3A_294 : i32 to index
        %parallel_loop3A_300 = arith.index_cast %parallel_loop3A_130 : i32 to index
        %parallel_loop3A_301 = tpu.vector_load %parallel_loop3A_298[%parallel_loop3A_299, %parallel_loop3A_300] {strides = array<i32>} : memref<20x1664xf32, #tpu.memory_space<vmem>>, vector<1x16xf32>,
        %parallel_loop3A_302 = vector.shape_cast %parallel_loop3A_301 : vector<1x16xf32> to vector<16xf32>
        %parallel_loop3A_303 = arith.mulf %parallel_loop3A_302, %parallel_loop3A_133 : vector<16xf32>
        %parallel_loop3A_304 = arith.constant 10 : i32
        %parallel_loop3A_305 = arith.index_cast %parallel_loop3A_304 : i32 to index
        %parallel_loop3A_306 = arith.index_cast %parallel_loop3A_130 : i32 to index
        %parallel_loop3A_307 = tpu.vector_load %arg10[%parallel_loop3A_305, %parallel_loop3A_306] {strides = array<i32>} : memref<20x1664xf32, #tpu.memory_space<vmem>>, vector<1x16xf32>,
        %parallel_loop3A_308 = vector.shape_cast %parallel_loop3A_307 : vector<1x16xf32> to vector<16xf32>
        %parallel_loop3A_309 = vector.shape_cast %parallel_loop3A_303 : vector<16xf32> to vector<1x16xf32>
        tpu.vector_store %arg10[%parallel_loop3A_305, %parallel_loop3A_306], %parallel_loop3A_309 {strides = array<i32>} : memref<20x1664xf32, #tpu.memory_space<vmem>>, vector<1x16xf32>,
        %parallel_loop3A_310 = arith.constant 11 : i32
        %parallel_loop3A_311 = arith.constant 0 : i32
        %parallel_loop3A_312 = arith.constant 0 : i32
        %parallel_loop3A_313 = tpu.memref_slice %arg9[%rem3A_62, %parallel_loop3A_311, %parallel_loop3A_312] : memref<2x20x1664xf32, #tpu.memory_space<vmem>> -> memref<1x20x1664xf32, #tpu.memory_space<vmem>>
        %parallel_loop3A_314 = tpu.memref_squeeze %parallel_loop3A_313 : memref<1x20x1664xf32, #tpu.memory_space<vmem>> -> memref<20x1664xf32, #tpu.memory_space<vmem>>
        %parallel_loop3A_315 = arith.index_cast %parallel_loop3A_310 : i32 to index
        %parallel_loop3A_316 = arith.index_cast %parallel_loop3A_130 : i32 to index
        %parallel_loop3A_317 = tpu.vector_load %parallel_loop3A_314[%parallel_loop3A_315, %parallel_loop3A_316] {strides = array<i32>} : memref<20x1664xf32, #tpu.memory_space<vmem>>, vector<1x16xf32>,
        %parallel_loop3A_318 = vector.shape_cast %parallel_loop3A_317 : vector<1x16xf32> to vector<16xf32>
        %parallel_loop3A_319 = arith.mulf %parallel_loop3A_318, %parallel_loop3A_133 : vector<16xf32>
        %parallel_loop3A_320 = arith.constant 11 : i32
        %parallel_loop3A_321 = arith.index_cast %parallel_loop3A_320 : i32 to index
        %parallel_loop3A_322 = arith.index_cast %parallel_loop3A_130 : i32 to index
        %parallel_loop3A_323 = tpu.vector_load %arg10[%parallel_loop3A_321, %parallel_loop3A_322] {strides = array<i32>} : memref<20x1664xf32, #tpu.memory_space<vmem>>, vector<1x16xf32>,
        %parallel_loop3A_324 = vector.shape_cast %parallel_loop3A_323 : vector<1x16xf32> to vector<16xf32>
        %parallel_loop3A_325 = vector.shape_cast %parallel_loop3A_319 : vector<16xf32> to vector<1x16xf32>
        tpu.vector_store %arg10[%parallel_loop3A_321, %parallel_loop3A_322], %parallel_loop3A_325 {strides = array<i32>} : memref<20x1664xf32, #tpu.memory_space<vmem>>, vector<1x16xf32>,
        %parallel_loop3A_326 = arith.constant 12 : i32
        %parallel_loop3A_327 = arith.constant 0 : i32
        %parallel_loop3A_328 = arith.constant 0 : i32
        %parallel_loop3A_329 = tpu.memref_slice %arg9[%rem3A_62, %parallel_loop3A_327, %parallel_loop3A_328] : memref<2x20x1664xf32, #tpu.memory_space<vmem>> -> memref<1x20x1664xf32, #tpu.memory_space<vmem>>
        %parallel_loop3A_330 = tpu.memref_squeeze %parallel_loop3A_329 : memref<1x20x1664xf32, #tpu.memory_space<vmem>> -> memref<20x1664xf32, #tpu.memory_space<vmem>>
        %parallel_loop3A_331 = arith.index_cast %parallel_loop3A_326 : i32 to index
        %parallel_loop3A_332 = arith.index_cast %parallel_loop3A_130 : i32 to index
        %parallel_loop3A_333 = tpu.vector_load %parallel_loop3A_330[%parallel_loop3A_331, %parallel_loop3A_332] {strides = array<i32>} : memref<20x1664xf32, #tpu.memory_space<vmem>>, vector<1x16xf32>,
        %parallel_loop3A_334 = vector.shape_cast %parallel_loop3A_333 : vector<1x16xf32> to vector<16xf32>
        %parallel_loop3A_335 = arith.mulf %parallel_loop3A_334, %parallel_loop3A_133 : vector<16xf32>
        %parallel_loop3A_336 = arith.constant 12 : i32
        %parallel_loop3A_337 = arith.index_cast %parallel_loop3A_336 : i32 to index
        %parallel_loop3A_338 = arith.index_cast %parallel_loop3A_130 : i32 to index
        %parallel_loop3A_339 = tpu.vector_load %arg10[%parallel_loop3A_337, %parallel_loop3A_338] {strides = array<i32>} : memref<20x1664xf32, #tpu.memory_space<vmem>>, vector<1x16xf32>,
        %parallel_loop3A_340 = vector.shape_cast %parallel_loop3A_339 : vector<1x16xf32> to vector<16xf32>
        %parallel_loop3A_341 = vector.shape_cast %parallel_loop3A_335 : vector<16xf32> to vector<1x16xf32>
        tpu.vector_store %arg10[%parallel_loop3A_337, %parallel_loop3A_338], %parallel_loop3A_341 {strides = array<i32>} : memref<20x1664xf32, #tpu.memory_space<vmem>>, vector<1x16xf32>,
        %parallel_loop3A_342 = arith.constant 13 : i32
        %parallel_loop3A_343 = arith.constant 0 : i32
        %parallel_loop3A_344 = arith.constant 0 : i32
        %parallel_loop3A_345 = tpu.memref_slice %arg9[%rem3A_62, %parallel_loop3A_343, %parallel_loop3A_344] : memref<2x20x1664xf32, #tpu.memory_space<vmem>> -> memref<1x20x1664xf32, #tpu.memory_space<vmem>>
        %parallel_loop3A_346 = tpu.memref_squeeze %parallel_loop3A_345 : memref<1x20x1664xf32, #tpu.memory_space<vmem>> -> memref<20x1664xf32, #tpu.memory_space<vmem>>
        %parallel_loop3A_347 = arith.index_cast %parallel_loop3A_342 : i32 to index
        %parallel_loop3A_348 = arith.index_cast %parallel_loop3A_130 : i32 to index
        %parallel_loop3A_349 = tpu.vector_load %parallel_loop3A_346[%parallel_loop3A_347, %parallel_loop3A_348] {strides = array<i32>} : memref<20x1664xf32, #tpu.memory_space<vmem>>, vector<1x16xf32>,
        %parallel_loop3A_350 = vector.shape_cast %parallel_loop3A_349 : vector<1x16xf32> to vector<16xf32>
        %parallel_loop3A_351 = arith.mulf %parallel_loop3A_350, %parallel_loop3A_133 : vector<16xf32>
        %parallel_loop3A_352 = arith.constant 13 : i32
        %parallel_loop3A_353 = arith.index_cast %parallel_loop3A_352 : i32 to index
        %parallel_loop3A_354 = arith.index_cast %parallel_loop3A_130 : i32 to index
        %parallel_loop3A_355 = tpu.vector_load %arg10[%parallel_loop3A_353, %parallel_loop3A_354] {strides = array<i32>} : memref<20x1664xf32, #tpu.memory_space<vmem>>, vector<1x16xf32>,
        %parallel_loop3A_356 = vector.shape_cast %parallel_loop3A_355 : vector<1x16xf32> to vector<16xf32>
        %parallel_loop3A_357 = vector.shape_cast %parallel_loop3A_351 : vector<16xf32> to vector<1x16xf32>
        tpu.vector_store %arg10[%parallel_loop3A_353, %parallel_loop3A_354], %parallel_loop3A_357 {strides = array<i32>} : memref<20x1664xf32, #tpu.memory_space<vmem>>, vector<1x16xf32>,
        %parallel_loop3A_358 = arith.constant 14 : i32
        %parallel_loop3A_359 = arith.constant 0 : i32
        %parallel_loop3A_360 = arith.constant 0 : i32
        %parallel_loop3A_361 = tpu.memref_slice %arg9[%rem3A_62, %parallel_loop3A_359, %parallel_loop3A_360] : memref<2x20x1664xf32, #tpu.memory_space<vmem>> -> memref<1x20x1664xf32, #tpu.memory_space<vmem>>
        %parallel_loop3A_362 = tpu.memref_squeeze %parallel_loop3A_361 : memref<1x20x1664xf32, #tpu.memory_space<vmem>> -> memref<20x1664xf32, #tpu.memory_space<vmem>>
        %parallel_loop3A_363 = arith.index_cast %parallel_loop3A_358 : i32 to index
        %parallel_loop3A_364 = arith.index_cast %parallel_loop3A_130 : i32 to index
        %parallel_loop3A_365 = tpu.vector_load %parallel_loop3A_362[%parallel_loop3A_363, %parallel_loop3A_364] {strides = array<i32>} : memref<20x1664xf32, #tpu.memory_space<vmem>>, vector<1x16xf32>,
        %parallel_loop3A_366 = vector.shape_cast %parallel_loop3A_365 : vector<1x16xf32> to vector<16xf32>
        %parallel_loop3A_367 = arith.mulf %parallel_loop3A_366, %parallel_loop3A_133 : vector<16xf32>
        %parallel_loop3A_368 = arith.constant 14 : i32
        %parallel_loop3A_369 = arith.index_cast %parallel_loop3A_368 : i32 to index
        %parallel_loop3A_370 = arith.index_cast %parallel_loop3A_130 : i32 to index
        %parallel_loop3A_371 = tpu.vector_load %arg10[%parallel_loop3A_369, %parallel_loop3A_370] {strides = array<i32>} : memref<20x1664xf32, #tpu.memory_space<vmem>>, vector<1x16xf32>,
        %parallel_loop3A_372 = vector.shape_cast %parallel_loop3A_371 : vector<1x16xf32> to vector<16xf32>
        %parallel_loop3A_373 = vector.shape_cast %parallel_loop3A_367 : vector<16xf32> to vector<1x16xf32>
        tpu.vector_store %arg10[%parallel_loop3A_369, %parallel_loop3A_370], %parallel_loop3A_373 {strides = array<i32>} : memref<20x1664xf32, #tpu.memory_space<vmem>>, vector<1x16xf32>,
        %parallel_loop3A_374 = arith.constant 15 : i32
        %parallel_loop3A_375 = arith.constant 0 : i32
        %parallel_loop3A_376 = arith.constant 0 : i32
        %parallel_loop3A_377 = tpu.memref_slice %arg9[%rem3A_62, %parallel_loop3A_375, %parallel_loop3A_376] : memref<2x20x1664xf32, #tpu.memory_space<vmem>> -> memref<1x20x1664xf32, #tpu.memory_space<vmem>>
        %parallel_loop3A_378 = tpu.memref_squeeze %parallel_loop3A_377 : memref<1x20x1664xf32, #tpu.memory_space<vmem>> -> memref<20x1664xf32, #tpu.memory_space<vmem>>
        %parallel_loop3A_379 = arith.index_cast %parallel_loop3A_374 : i32 to index
        %parallel_loop3A_380 = arith.index_cast %parallel_loop3A_130 : i32 to index
        %parallel_loop3A_381 = tpu.vector_load %parallel_loop3A_378[%parallel_loop3A_379, %parallel_loop3A_380] {strides = array<i32>} : memref<20x1664xf32, #tpu.memory_space<vmem>>, vector<1x16xf32>,
        %parallel_loop3A_382 = vector.shape_cast %parallel_loop3A_381 : vector<1x16xf32> to vector<16xf32>
        %parallel_loop3A_383 = arith.mulf %parallel_loop3A_382, %parallel_loop3A_133 : vector<16xf32>
        %parallel_loop3A_384 = arith.constant 15 : i32
        %parallel_loop3A_385 = arith.index_cast %parallel_loop3A_384 : i32 to index
        %parallel_loop3A_386 = arith.index_cast %parallel_loop3A_130 : i32 to index
        %parallel_loop3A_387 = tpu.vector_load %arg10[%parallel_loop3A_385, %parallel_loop3A_386] {strides = array<i32>} : memref<20x1664xf32, #tpu.memory_space<vmem>>, vector<1x16xf32>,
        %parallel_loop3A_388 = vector.shape_cast %parallel_loop3A_387 : vector<1x16xf32> to vector<16xf32>
        %parallel_loop3A_389 = vector.shape_cast %parallel_loop3A_383 : vector<16xf32> to vector<1x16xf32>
        tpu.vector_store %arg10[%parallel_loop3A_385, %parallel_loop3A_386], %parallel_loop3A_389 {strides = array<i32>} : memref<20x1664xf32, #tpu.memory_space<vmem>>, vector<1x16xf32>,
        %parallel_loop3A_390 = arith.constant 16 : i32
        %parallel_loop3A_391 = arith.constant 0 : i32
        %parallel_loop3A_392 = arith.constant 0 : i32
        %parallel_loop3A_393 = tpu.memref_slice %arg9[%rem3A_62, %parallel_loop3A_391, %parallel_loop3A_392] : memref<2x20x1664xf32, #tpu.memory_space<vmem>> -> memref<1x20x1664xf32, #tpu.memory_space<vmem>>
        %parallel_loop3A_394 = tpu.memref_squeeze %parallel_loop3A_393 : memref<1x20x1664xf32, #tpu.memory_space<vmem>> -> memref<20x1664xf32, #tpu.memory_space<vmem>>
        %parallel_loop3A_395 = arith.index_cast %parallel_loop3A_390 : i32 to index
        %parallel_loop3A_396 = arith.index_cast %parallel_loop3A_130 : i32 to index
        %parallel_loop3A_397 = tpu.vector_load %parallel_loop3A_394[%parallel_loop3A_395, %parallel_loop3A_396] {strides = array<i32>} : memref<20x1664xf32, #tpu.memory_space<vmem>>, vector<1x16xf32>,
        %parallel_loop3A_398 = vector.shape_cast %parallel_loop3A_397 : vector<1x16xf32> to vector<16xf32>
        %parallel_loop3A_399 = arith.mulf %parallel_loop3A_398, %parallel_loop3A_133 : vector<16xf32>
        %parallel_loop3A_400 = arith.constant 16 : i32
        %parallel_loop3A_401 = arith.index_cast %parallel_loop3A_400 : i32 to index
        %parallel_loop3A_402 = arith.index_cast %parallel_loop3A_130 : i32 to index
        %parallel_loop3A_403 = tpu.vector_load %arg10[%parallel_loop3A_401, %parallel_loop3A_402] {strides = array<i32>} : memref<20x1664xf32, #tpu.memory_space<vmem>>, vector<1x16xf32>,
        %parallel_loop3A_404 = vector.shape_cast %parallel_loop3A_403 : vector<1x16xf32> to vector<16xf32>
        %parallel_loop3A_405 = vector.shape_cast %parallel_loop3A_399 : vector<16xf32> to vector<1x16xf32>
        tpu.vector_store %arg10[%parallel_loop3A_401, %parallel_loop3A_402], %parallel_loop3A_405 {strides = array<i32>} : memref<20x1664xf32, #tpu.memory_space<vmem>>, vector<1x16xf32>,
        %parallel_loop3A_406 = arith.constant 17 : i32
        %parallel_loop3A_407 = arith.constant 0 : i32
        %parallel_loop3A_408 = arith.constant 0 : i32
        %parallel_loop3A_409 = tpu.memref_slice %arg9[%rem3A_62, %parallel_loop3A_407, %parallel_loop3A_408] : memref<2x20x1664xf32, #tpu.memory_space<vmem>> -> memref<1x20x1664xf32, #tpu.memory_space<vmem>>
        %parallel_loop3A_410 = tpu.memref_squeeze %parallel_loop3A_409 : memref<1x20x1664xf32, #tpu.memory_space<vmem>> -> memref<20x1664xf32, #tpu.memory_space<vmem>>
        %parallel_loop3A_411 = arith.index_cast %parallel_loop3A_406 : i32 to index
        %parallel_loop3A_412 = arith.index_cast %parallel_loop3A_130 : i32 to index
        %parallel_loop3A_413 = tpu.vector_load %parallel_loop3A_410[%parallel_loop3A_411, %parallel_loop3A_412] {strides = array<i32>} : memref<20x1664xf32, #tpu.memory_space<vmem>>, vector<1x16xf32>,
        %parallel_loop3A_414 = vector.shape_cast %parallel_loop3A_413 : vector<1x16xf32> to vector<16xf32>
        %parallel_loop3A_415 = arith.mulf %parallel_loop3A_414, %parallel_loop3A_133 : vector<16xf32>
        %parallel_loop3A_416 = arith.constant 17 : i32
        %parallel_loop3A_417 = arith.index_cast %parallel_loop3A_416 : i32 to index
        %parallel_loop3A_418 = arith.index_cast %parallel_loop3A_130 : i32 to index
        %parallel_loop3A_419 = tpu.vector_load %arg10[%parallel_loop3A_417, %parallel_loop3A_418] {strides = array<i32>} : memref<20x1664xf32, #tpu.memory_space<vmem>>, vector<1x16xf32>,
        %parallel_loop3A_420 = vector.shape_cast %parallel_loop3A_419 : vector<1x16xf32> to vector<16xf32>
        %parallel_loop3A_421 = vector.shape_cast %parallel_loop3A_415 : vector<16xf32> to vector<1x16xf32>
        tpu.vector_store %arg10[%parallel_loop3A_417, %parallel_loop3A_418], %parallel_loop3A_421 {strides = array<i32>} : memref<20x1664xf32, #tpu.memory_space<vmem>>, vector<1x16xf32>,
        %parallel_loop3A_422 = arith.constant 18 : i32
        %parallel_loop3A_423 = arith.constant 0 : i32
        %parallel_loop3A_424 = arith.constant 0 : i32
        %parallel_loop3A_425 = tpu.memref_slice %arg9[%rem3A_62, %parallel_loop3A_423, %parallel_loop3A_424] : memref<2x20x1664xf32, #tpu.memory_space<vmem>> -> memref<1x20x1664xf32, #tpu.memory_space<vmem>>
        %parallel_loop3A_426 = tpu.memref_squeeze %parallel_loop3A_425 : memref<1x20x1664xf32, #tpu.memory_space<vmem>> -> memref<20x1664xf32, #tpu.memory_space<vmem>>
        %parallel_loop3A_427 = arith.index_cast %parallel_loop3A_422 : i32 to index
        %parallel_loop3A_428 = arith.index_cast %parallel_loop3A_130 : i32 to index
        %parallel_loop3A_429 = tpu.vector_load %parallel_loop3A_426[%parallel_loop3A_427, %parallel_loop3A_428] {strides = array<i32>} : memref<20x1664xf32, #tpu.memory_space<vmem>>, vector<1x16xf32>,
        %parallel_loop3A_430 = vector.shape_cast %parallel_loop3A_429 : vector<1x16xf32> to vector<16xf32>
        %parallel_loop3A_431 = arith.mulf %parallel_loop3A_430, %parallel_loop3A_133 : vector<16xf32>
        %parallel_loop3A_432 = arith.constant 18 : i32
        %parallel_loop3A_433 = arith.index_cast %parallel_loop3A_432 : i32 to index
        %parallel_loop3A_434 = arith.index_cast %parallel_loop3A_130 : i32 to index
        %parallel_loop3A_435 = tpu.vector_load %arg10[%parallel_loop3A_433, %parallel_loop3A_434] {strides = array<i32>} : memref<20x1664xf32, #tpu.memory_space<vmem>>, vector<1x16xf32>,
        %parallel_loop3A_436 = vector.shape_cast %parallel_loop3A_435 : vector<1x16xf32> to vector<16xf32>
        %parallel_loop3A_437 = vector.shape_cast %parallel_loop3A_431 : vector<16xf32> to vector<1x16xf32>
        tpu.vector_store %arg10[%parallel_loop3A_433, %parallel_loop3A_434], %parallel_loop3A_437 {strides = array<i32>} : memref<20x1664xf32, #tpu.memory_space<vmem>>, vector<1x16xf32>,
        %parallel_loop3A_438 = arith.constant 19 : i32
        %parallel_loop3A_439 = arith.constant 0 : i32
        %parallel_loop3A_440 = arith.constant 0 : i32
        %parallel_loop3A_441 = tpu.memref_slice %arg9[%rem3A_62, %parallel_loop3A_439, %parallel_loop3A_440] : memref<2x20x1664xf32, #tpu.memory_space<vmem>> -> memref<1x20x1664xf32, #tpu.memory_space<vmem>>
        %parallel_loop3A_442 = tpu.memref_squeeze %parallel_loop3A_441 : memref<1x20x1664xf32, #tpu.memory_space<vmem>> -> memref<20x1664xf32, #tpu.memory_space<vmem>>
        %parallel_loop3A_443 = arith.index_cast %parallel_loop3A_438 : i32 to index
        %parallel_loop3A_444 = arith.index_cast %parallel_loop3A_130 : i32 to index
        %parallel_loop3A_445 = tpu.vector_load %parallel_loop3A_442[%parallel_loop3A_443, %parallel_loop3A_444] {strides = array<i32>} : memref<20x1664xf32, #tpu.memory_space<vmem>>, vector<1x16xf32>,
        %parallel_loop3A_446 = vector.shape_cast %parallel_loop3A_445 : vector<1x16xf32> to vector<16xf32>
        %parallel_loop3A_447 = arith.mulf %parallel_loop3A_446, %parallel_loop3A_133 : vector<16xf32>
        %parallel_loop3A_448 = arith.constant 19 : i32
        %parallel_loop3A_449 = arith.index_cast %parallel_loop3A_448 : i32 to index
        %parallel_loop3A_450 = arith.index_cast %parallel_loop3A_130 : i32 to index
        %parallel_loop3A_451 = tpu.vector_load %arg10[%parallel_loop3A_449, %parallel_loop3A_450] {strides = array<i32>} : memref<20x1664xf32, #tpu.memory_space<vmem>>, vector<1x16xf32>,
        %parallel_loop3A_452 = vector.shape_cast %parallel_loop3A_451 : vector<1x16xf32> to vector<16xf32>
        %parallel_loop3A_453 = vector.shape_cast %parallel_loop3A_447 : vector<16xf32> to vector<1x16xf32>
        tpu.vector_store %arg10[%parallel_loop3A_449, %parallel_loop3A_450], %parallel_loop3A_453 {strides = array<i32>} : memref<20x1664xf32, #tpu.memory_space<vmem>>, vector<1x16xf32>,
      } {sc.loop_unroll_factor = 1 : i64, sc.parallel_access}
      %add3A_97 = arith.addi %mul3A_2, %scan3A_60 : i32
      %dma_start3A_98 = arith.constant 0 : i32
      %dma_start3A_99 = arith.constant 0 : i32
      %dma_start3A_100 = tpu.memref_slice %arg5[%add3A_97, %dma_start3A_98, %dma_start3A_99] : memref<1024x20x1664xf32, #tpu.memory_space<hbm>> -> memref<1x20x1664xf32, #tpu.memory_space<hbm>>
      %dma_start3A_101 = tpu.memref_squeeze %dma_start3A_100 : memref<1x20x1664xf32, #tpu.memory_space<hbm>> -> memref<20x1664xf32, #tpu.memory_space<hbm>>
      %dma_start3A_102 = arith.constant 0 : i32
      %dma_start3A_103 = arith.constant 0 : i32
      %dma_start3A_104 = tpu.memref_slice %arg5[%add3A_97, %dma_start3A_102, %dma_start3A_103] : memref<1024x20x1664xf32, #tpu.memory_space<hbm>> -> memref<1x20x1664xf32, #tpu.memory_space<hbm>>
      %dma_start3A_105 = tpu.memref_squeeze %dma_start3A_104 : memref<1x20x1664xf32, #tpu.memory_space<hbm>> -> memref<20x1664xf32, #tpu.memory_space<hbm>>
      tpu.enqueue_dma source(%arg10 : memref<20x1664xf32, #tpu.memory_space<vmem>>) target(%dma_start3A_105 : memref<20x1664xf32, #tpu.memory_space<hbm>>) target_semaphore(%arg13 : memref<!tpu.dma_semaphore, #tpu.memory_space<semaphore_mem>>)
      %parallel_loop3A_106 = arith.constant 0 : i32
      %parallel_loop3A_107 = arith.constant 104 : i32
      %parallel_loop3A_108 = arith.constant 1 : i32
      scf.for %parallel_loop3A_128 = %parallel_loop3A_106 to %parallel_loop3A_107 step %parallel_loop3A_108  : i32 {
        %parallel_loop3A_129 = arith.constant 16 : i32
        %parallel_loop3A_130 = arith.muli %parallel_loop3A_128, %parallel_loop3A_129 : i32
        %parallel_loop3A_131 = arith.index_cast %parallel_loop3A_130 : i32 to index
        %parallel_loop3A_132 = tpu.vector_load %arg8[%parallel_loop3A_131] {strides = array<i32>} : memref<1664xf32, #tpu.memory_space<vmem>>, vector<16xf32>,
        %parallel_loop3A_133 = vector.shape_cast %parallel_loop3A_132 : vector<16xf32> to vector<16xf32>
        %parallel_loop3A_134 = arith.constant 0 : i32
        %parallel_loop3A_135 = arith.constant 0 : i32
        %parallel_loop3A_136 = arith.constant 0 : i32
        %parallel_loop3A_137 = tpu.memref_slice %arg9[%rem3A_62, %parallel_loop3A_135, %parallel_loop3A_136] : memref<2x20x1664xf32, #tpu.memory_space<vmem>> -> memref<1x20x1664xf32, #tpu.memory_space<vmem>>
        %parallel_loop3A_138 = tpu.memref_squeeze %parallel_loop3A_137 : memref<1x20x1664xf32, #tpu.memory_space<vmem>> -> memref<20x1664xf32, #tpu.memory_space<vmem>>
        %parallel_loop3A_139 = arith.index_cast %parallel_loop3A_134 : i32 to index
        %parallel_loop3A_140 = arith.index_cast %parallel_loop3A_130 : i32 to index
        %parallel_loop3A_141 = tpu.vector_load %parallel_loop3A_138[%parallel_loop3A_139, %parallel_loop3A_140] {strides = array<i32>} : memref<20x1664xf32, #tpu.memory_space<vmem>>, vector<1x16xf32>,
        %parallel_loop3A_142 = vector.shape_cast %parallel_loop3A_141 : vector<1x16xf32> to vector<16xf32>
        %parallel_loop3A_143 = arith.mulf %parallel_loop3A_142, %parallel_loop3A_133 : vector<16xf32>
        %parallel_loop3A_144 = arith.constant 0 : i32
        %parallel_loop3A_145 = arith.constant 0 : i32
        %parallel_loop3A_146 = arith.constant 0 : i32
        %parallel_loop3A_147 = tpu.memref_slice %arg9[%rem3A_62, %parallel_loop3A_145, %parallel_loop3A_146] : memref<2x20x1664xf32, #tpu.memory_space<vmem>> -> memref<1x20x1664xf32, #tpu.memory_space<vmem>>
        %parallel_loop3A_148 = tpu.memref_squeeze %parallel_loop3A_147 : memref<1x20x1664xf32, #tpu.memory_space<vmem>> -> memref<20x1664xf32, #tpu.memory_space<vmem>>
        %parallel_loop3A_149 = arith.index_cast %parallel_loop3A_144 : i32 to index
        %parallel_loop3A_150 = arith.index_cast %parallel_loop3A_130 : i32 to index
        %parallel_loop3A_151 = tpu.vector_load %parallel_loop3A_148[%parallel_loop3A_149, %parallel_loop3A_150] {strides = array<i32>} : memref<20x1664xf32, #tpu.memory_space<vmem>>, vector<1x16xf32>,
        %parallel_loop3A_152 = vector.shape_cast %parallel_loop3A_151 : vector<1x16xf32> to vector<16xf32>
        %parallel_loop3A_153 = vector.shape_cast %parallel_loop3A_143 : vector<16xf32> to vector<1x16xf32>
        tpu.vector_store %parallel_loop3A_148[%parallel_loop3A_149, %parallel_loop3A_150], %parallel_loop3A_153 {strides = array<i32>} : memref<20x1664xf32, #tpu.memory_space<vmem>>, vector<1x16xf32>,
        %parallel_loop3A_154 = arith.constant 1 : i32
        %parallel_loop3A_155 = arith.constant 0 : i32
        %parallel_loop3A_156 = arith.constant 0 : i32
        %parallel_loop3A_157 = tpu.memref_slice %arg9[%rem3A_62, %parallel_loop3A_155, %parallel_loop3A_156] : memref<2x20x1664xf32, #tpu.memory_space<vmem>> -> memref<1x20x1664xf32, #tpu.memory_space<vmem>>
        %parallel_loop3A_158 = tpu.memref_squeeze %parallel_loop3A_157 : memref<1x20x1664xf32, #tpu.memory_space<vmem>> -> memref<20x1664xf32, #tpu.memory_space<vmem>>
        %parallel_loop3A_159 = arith.index_cast %parallel_loop3A_154 : i32 to index
        %parallel_loop3A_160 = arith.index_cast %parallel_loop3A_130 : i32 to index
        %parallel_loop3A_161 = tpu.vector_load %parallel_loop3A_158[%parallel_loop3A_159, %parallel_loop3A_160] {strides = array<i32>} : memref<20x1664xf32, #tpu.memory_space<vmem>>, vector<1x16xf32>,
        %parallel_loop3A_162 = vector.shape_cast %parallel_loop3A_161 : vector<1x16xf32> to vector<16xf32>
        %parallel_loop3A_163 = arith.mulf %parallel_loop3A_162, %parallel_loop3A_133 : vector<16xf32>
        %parallel_loop3A_164 = arith.constant 1 : i32
        %parallel_loop3A_165 = arith.constant 0 : i32
        %parallel_loop3A_166 = arith.constant 0 : i32
        %parallel_loop3A_167 = tpu.memref_slice %arg9[%rem3A_62, %parallel_loop3A_165, %parallel_loop3A_166] : memref<2x20x1664xf32, #tpu.memory_space<vmem>> -> memref<1x20x1664xf32, #tpu.memory_space<vmem>>
        %parallel_loop3A_168 = tpu.memref_squeeze %parallel_loop3A_167 : memref<1x20x1664xf32, #tpu.memory_space<vmem>> -> memref<20x1664xf32, #tpu.memory_space<vmem>>
        %parallel_loop3A_169 = arith.index_cast %parallel_loop3A_164 : i32 to index
        %parallel_loop3A_170 = arith.index_cast %parallel_loop3A_130 : i32 to index
        %parallel_loop3A_171 = tpu.vector_load %parallel_loop3A_168[%parallel_loop3A_169, %parallel_loop3A_170] {strides = array<i32>} : memref<20x1664xf32, #tpu.memory_space<vmem>>, vector<1x16xf32>,
        %parallel_loop3A_172 = vector.shape_cast %parallel_loop3A_171 : vector<1x16xf32> to vector<16xf32>
        %parallel_loop3A_173 = vector.shape_cast %parallel_loop3A_163 : vector<16xf32> to vector<1x16xf32>
        tpu.vector_store %parallel_loop3A_168[%parallel_loop3A_169, %parallel_loop3A_170], %parallel_loop3A_173 {strides = array<i32>} : memref<20x1664xf32, #tpu.memory_space<vmem>>, vector<1x16xf32>,
        %parallel_loop3A_174 = arith.constant 2 : i32
        %parallel_loop3A_175 = arith.constant 0 : i32
        %parallel_loop3A_176 = arith.constant 0 : i32
        %parallel_loop3A_177 = tpu.memref_slice %arg9[%rem3A_62, %parallel_loop3A_175, %parallel_loop3A_176] : memref<2x20x1664xf32, #tpu.memory_space<vmem>> -> memref<1x20x1664xf32, #tpu.memory_space<vmem>>
        %parallel_loop3A_178 = tpu.memref_squeeze %parallel_loop3A_177 : memref<1x20x1664xf32, #tpu.memory_space<vmem>> -> memref<20x1664xf32, #tpu.memory_space<vmem>>
        %parallel_loop3A_179 = arith.index_cast %parallel_loop3A_174 : i32 to index
        %parallel_loop3A_180 = arith.index_cast %parallel_loop3A_130 : i32 to index
        %parallel_loop3A_181 = tpu.vector_load %parallel_loop3A_178[%parallel_loop3A_179, %parallel_loop3A_180] {strides = array<i32>} : memref<20x1664xf32, #tpu.memory_space<vmem>>, vector<1x16xf32>,
        %parallel_loop3A_182 = vector.shape_cast %parallel_loop3A_181 : vector<1x16xf32> to vector<16xf32>
        %parallel_loop3A_183 = arith.mulf %parallel_loop3A_182, %parallel_loop3A_133 : vector<16xf32>
        %parallel_loop3A_184 = arith.constant 2 : i32
        %parallel_loop3A_185 = arith.constant 0 : i32
        %parallel_loop3A_186 = arith.constant 0 : i32
        %parallel_loop3A_187 = tpu.memref_slice %arg9[%rem3A_62, %parallel_loop3A_185, %parallel_loop3A_186] : memref<2x20x1664xf32, #tpu.memory_space<vmem>> -> memref<1x20x1664xf32, #tpu.memory_space<vmem>>
        %parallel_loop3A_188 = tpu.memref_squeeze %parallel_loop3A_187 : memref<1x20x1664xf32, #tpu.memory_space<vmem>> -> memref<20x1664xf32, #tpu.memory_space<vmem>>
        %parallel_loop3A_189 = arith.index_cast %parallel_loop3A_184 : i32 to index
        %parallel_loop3A_190 = arith.index_cast %parallel_loop3A_130 : i32 to index
        %parallel_loop3A_191 = tpu.vector_load %parallel_loop3A_188[%parallel_loop3A_189, %parallel_loop3A_190] {strides = array<i32>} : memref<20x1664xf32, #tpu.memory_space<vmem>>, vector<1x16xf32>,
        %parallel_loop3A_192 = vector.shape_cast %parallel_loop3A_191 : vector<1x16xf32> to vector<16xf32>
        %parallel_loop3A_193 = vector.shape_cast %parallel_loop3A_183 : vector<16xf32> to vector<1x16xf32>
        tpu.vector_store %parallel_loop3A_188[%parallel_loop3A_189, %parallel_loop3A_190], %parallel_loop3A_193 {strides = array<i32>} : memref<20x1664xf32, #tpu.memory_space<vmem>>, vector<1x16xf32>,
        %parallel_loop3A_194 = arith.constant 3 : i32
        %parallel_loop3A_195 = arith.constant 0 : i32
        %parallel_loop3A_196 = arith.constant 0 : i32
        %parallel_loop3A_197 = tpu.memref_slice %arg9[%rem3A_62, %parallel_loop3A_195, %parallel_loop3A_196] : memref<2x20x1664xf32, #tpu.memory_space<vmem>> -> memref<1x20x1664xf32, #tpu.memory_space<vmem>>
        %parallel_loop3A_198 = tpu.memref_squeeze %parallel_loop3A_197 : memref<1x20x1664xf32, #tpu.memory_space<vmem>> -> memref<20x1664xf32, #tpu.memory_space<vmem>>
        %parallel_loop3A_199 = arith.index_cast %parallel_loop3A_194 : i32 to index
        %parallel_loop3A_200 = arith.index_cast %parallel_loop3A_130 : i32 to index
        %parallel_loop3A_201 = tpu.vector_load %parallel_loop3A_198[%parallel_loop3A_199, %parallel_loop3A_200] {strides = array<i32>} : memref<20x1664xf32, #tpu.memory_space<vmem>>, vector<1x16xf32>,
        %parallel_loop3A_202 = vector.shape_cast %parallel_loop3A_201 : vector<1x16xf32> to vector<16xf32>
        %parallel_loop3A_203 = arith.mulf %parallel_loop3A_202, %parallel_loop3A_133 : vector<16xf32>
        %parallel_loop3A_204 = arith.constant 3 : i32
        %parallel_loop3A_205 = arith.constant 0 : i32
        %parallel_loop3A_206 = arith.constant 0 : i32
        %parallel_loop3A_207 = tpu.memref_slice %arg9[%rem3A_62, %parallel_loop3A_205, %parallel_loop3A_206] : memref<2x20x1664xf32, #tpu.memory_space<vmem>> -> memref<1x20x1664xf32, #tpu.memory_space<vmem>>
        %parallel_loop3A_208 = tpu.memref_squeeze %parallel_loop3A_207 : memref<1x20x1664xf32, #tpu.memory_space<vmem>> -> memref<20x1664xf32, #tpu.memory_space<vmem>>
        %parallel_loop3A_209 = arith.index_cast %parallel_loop3A_204 : i32 to index
        %parallel_loop3A_210 = arith.index_cast %parallel_loop3A_130 : i32 to index
        %parallel_loop3A_211 = tpu.vector_load %parallel_loop3A_208[%parallel_loop3A_209, %parallel_loop3A_210] {strides = array<i32>} : memref<20x1664xf32, #tpu.memory_space<vmem>>, vector<1x16xf32>,
        %parallel_loop3A_212 = vector.shape_cast %parallel_loop3A_211 : vector<1x16xf32> to vector<16xf32>
        %parallel_loop3A_213 = vector.shape_cast %parallel_loop3A_203 : vector<16xf32> to vector<1x16xf32>
        tpu.vector_store %parallel_loop3A_208[%parallel_loop3A_209, %parallel_loop3A_210], %parallel_loop3A_213 {strides = array<i32>} : memref<20x1664xf32, #tpu.memory_space<vmem>>, vector<1x16xf32>,
        %parallel_loop3A_214 = arith.constant 4 : i32
        %parallel_loop3A_215 = arith.constant 0 : i32
        %parallel_loop3A_216 = arith.constant 0 : i32
        %parallel_loop3A_217 = tpu.memref_slice %arg9[%rem3A_62, %parallel_loop3A_215, %parallel_loop3A_216] : memref<2x20x1664xf32, #tpu.memory_space<vmem>> -> memref<1x20x1664xf32, #tpu.memory_space<vmem>>
        %parallel_loop3A_218 = tpu.memref_squeeze %parallel_loop3A_217 : memref<1x20x1664xf32, #tpu.memory_space<vmem>> -> memref<20x1664xf32, #tpu.memory_space<vmem>>
        %parallel_loop3A_219 = arith.index_cast %parallel_loop3A_214 : i32 to index
        %parallel_loop3A_220 = arith.index_cast %parallel_loop3A_130 : i32 to index
        %parallel_loop3A_221 = tpu.vector_load %parallel_loop3A_218[%parallel_loop3A_219, %parallel_loop3A_220] {strides = array<i32>} : memref<20x1664xf32, #tpu.memory_space<vmem>>, vector<1x16xf32>,
        %parallel_loop3A_222 = vector.shape_cast %parallel_loop3A_221 : vector<1x16xf32> to vector<16xf32>
        %parallel_loop3A_223 = arith.mulf %parallel_loop3A_222, %parallel_loop3A_133 : vector<16xf32>
        %parallel_loop3A_224 = arith.constant 4 : i32
        %parallel_loop3A_225 = arith.constant 0 : i32
        %parallel_loop3A_226 = arith.constant 0 : i32
        %parallel_loop3A_227 = tpu.memref_slice %arg9[%rem3A_62, %parallel_loop3A_225, %parallel_loop3A_226] : memref<2x20x1664xf32, #tpu.memory_space<vmem>> -> memref<1x20x1664xf32, #tpu.memory_space<vmem>>
        %parallel_loop3A_228 = tpu.memref_squeeze %parallel_loop3A_227 : memref<1x20x1664xf32, #tpu.memory_space<vmem>> -> memref<20x1664xf32, #tpu.memory_space<vmem>>
        %parallel_loop3A_229 = arith.index_cast %parallel_loop3A_224 : i32 to index
        %parallel_loop3A_230 = arith.index_cast %parallel_loop3A_130 : i32 to index
        %parallel_loop3A_231 = tpu.vector_load %parallel_loop3A_228[%parallel_loop3A_229, %parallel_loop3A_230] {strides = array<i32>} : memref<20x1664xf32, #tpu.memory_space<vmem>>, vector<1x16xf32>,
        %parallel_loop3A_232 = vector.shape_cast %parallel_loop3A_231 : vector<1x16xf32> to vector<16xf32>
        %parallel_loop3A_233 = vector.shape_cast %parallel_loop3A_223 : vector<16xf32> to vector<1x16xf32>
        tpu.vector_store %parallel_loop3A_228[%parallel_loop3A_229, %parallel_loop3A_230], %parallel_loop3A_233 {strides = array<i32>} : memref<20x1664xf32, #tpu.memory_space<vmem>>, vector<1x16xf32>,
        %parallel_loop3A_234 = arith.constant 5 : i32
        %parallel_loop3A_235 = arith.constant 0 : i32
        %parallel_loop3A_236 = arith.constant 0 : i32
        %parallel_loop3A_237 = tpu.memref_slice %arg9[%rem3A_62, %parallel_loop3A_235, %parallel_loop3A_236] : memref<2x20x1664xf32, #tpu.memory_space<vmem>> -> memref<1x20x1664xf32, #tpu.memory_space<vmem>>
        %parallel_loop3A_238 = tpu.memref_squeeze %parallel_loop3A_237 : memref<1x20x1664xf32, #tpu.memory_space<vmem>> -> memref<20x1664xf32, #tpu.memory_space<vmem>>
        %parallel_loop3A_239 = arith.index_cast %parallel_loop3A_234 : i32 to index
        %parallel_loop3A_240 = arith.index_cast %parallel_loop3A_130 : i32 to index
        %parallel_loop3A_241 = tpu.vector_load %parallel_loop3A_238[%parallel_loop3A_239, %parallel_loop3A_240] {strides = array<i32>} : memref<20x1664xf32, #tpu.memory_space<vmem>>, vector<1x16xf32>,
        %parallel_loop3A_242 = vector.shape_cast %parallel_loop3A_241 : vector<1x16xf32> to vector<16xf32>
        %parallel_loop3A_243 = arith.mulf %parallel_loop3A_242, %parallel_loop3A_133 : vector<16xf32>
        %parallel_loop3A_244 = arith.constant 5 : i32
        %parallel_loop3A_245 = arith.constant 0 : i32
        %parallel_loop3A_246 = arith.constant 0 : i32
        %parallel_loop3A_247 = tpu.memref_slice %arg9[%rem3A_62, %parallel_loop3A_245, %parallel_loop3A_246] : memref<2x20x1664xf32, #tpu.memory_space<vmem>> -> memref<1x20x1664xf32, #tpu.memory_space<vmem>>
        %parallel_loop3A_248 = tpu.memref_squeeze %parallel_loop3A_247 : memref<1x20x1664xf32, #tpu.memory_space<vmem>> -> memref<20x1664xf32, #tpu.memory_space<vmem>>
        %parallel_loop3A_249 = arith.index_cast %parallel_loop3A_244 : i32 to index
        %parallel_loop3A_250 = arith.index_cast %parallel_loop3A_130 : i32 to index
        %parallel_loop3A_251 = tpu.vector_load %parallel_loop3A_248[%parallel_loop3A_249, %parallel_loop3A_250] {strides = array<i32>} : memref<20x1664xf32, #tpu.memory_space<vmem>>, vector<1x16xf32>,
        %parallel_loop3A_252 = vector.shape_cast %parallel_loop3A_251 : vector<1x16xf32> to vector<16xf32>
        %parallel_loop3A_253 = vector.shape_cast %parallel_loop3A_243 : vector<16xf32> to vector<1x16xf32>
        tpu.vector_store %parallel_loop3A_248[%parallel_loop3A_249, %parallel_loop3A_250], %parallel_loop3A_253 {strides = array<i32>} : memref<20x1664xf32, #tpu.memory_space<vmem>>, vector<1x16xf32>,
        %parallel_loop3A_254 = arith.constant 6 : i32
        %parallel_loop3A_255 = arith.constant 0 : i32
        %parallel_loop3A_256 = arith.constant 0 : i32
        %parallel_loop3A_257 = tpu.memref_slice %arg9[%rem3A_62, %parallel_loop3A_255, %parallel_loop3A_256] : memref<2x20x1664xf32, #tpu.memory_space<vmem>> -> memref<1x20x1664xf32, #tpu.memory_space<vmem>>
        %parallel_loop3A_258 = tpu.memref_squeeze %parallel_loop3A_257 : memref<1x20x1664xf32, #tpu.memory_space<vmem>> -> memref<20x1664xf32, #tpu.memory_space<vmem>>
        %parallel_loop3A_259 = arith.index_cast %parallel_loop3A_254 : i32 to index
        %parallel_loop3A_260 = arith.index_cast %parallel_loop3A_130 : i32 to index
        %parallel_loop3A_261 = tpu.vector_load %parallel_loop3A_258[%parallel_loop3A_259, %parallel_loop3A_260] {strides = array<i32>} : memref<20x1664xf32, #tpu.memory_space<vmem>>, vector<1x16xf32>,
        %parallel_loop3A_262 = vector.shape_cast %parallel_loop3A_261 : vector<1x16xf32> to vector<16xf32>
        %parallel_loop3A_263 = arith.mulf %parallel_loop3A_262, %parallel_loop3A_133 : vector<16xf32>
        %parallel_loop3A_264 = arith.constant 6 : i32
        %parallel_loop3A_265 = arith.constant 0 : i32
        %parallel_loop3A_266 = arith.constant 0 : i32
        %parallel_loop3A_267 = tpu.memref_slice %arg9[%rem3A_62, %parallel_loop3A_265, %parallel_loop3A_266] : memref<2x20x1664xf32, #tpu.memory_space<vmem>> -> memref<1x20x1664xf32, #tpu.memory_space<vmem>>
        %parallel_loop3A_268 = tpu.memref_squeeze %parallel_loop3A_267 : memref<1x20x1664xf32, #tpu.memory_space<vmem>> -> memref<20x1664xf32, #tpu.memory_space<vmem>>
        %parallel_loop3A_269 = arith.index_cast %parallel_loop3A_264 : i32 to index
        %parallel_loop3A_270 = arith.index_cast %parallel_loop3A_130 : i32 to index
        %parallel_loop3A_271 = tpu.vector_load %parallel_loop3A_268[%parallel_loop3A_269, %parallel_loop3A_270] {strides = array<i32>} : memref<20x1664xf32, #tpu.memory_space<vmem>>, vector<1x16xf32>,
        %parallel_loop3A_272 = vector.shape_cast %parallel_loop3A_271 : vector<1x16xf32> to vector<16xf32>
        %parallel_loop3A_273 = vector.shape_cast %parallel_loop3A_263 : vector<16xf32> to vector<1x16xf32>
        tpu.vector_store %parallel_loop3A_268[%parallel_loop3A_269, %parallel_loop3A_270], %parallel_loop3A_273 {strides = array<i32>} : memref<20x1664xf32, #tpu.memory_space<vmem>>, vector<1x16xf32>,
        %parallel_loop3A_274 = arith.constant 7 : i32
        %parallel_loop3A_275 = arith.constant 0 : i32
        %parallel_loop3A_276 = arith.constant 0 : i32
        %parallel_loop3A_277 = tpu.memref_slice %arg9[%rem3A_62, %parallel_loop3A_275, %parallel_loop3A_276] : memref<2x20x1664xf32, #tpu.memory_space<vmem>> -> memref<1x20x1664xf32, #tpu.memory_space<vmem>>
        %parallel_loop3A_278 = tpu.memref_squeeze %parallel_loop3A_277 : memref<1x20x1664xf32, #tpu.memory_space<vmem>> -> memref<20x1664xf32, #tpu.memory_space<vmem>>
        %parallel_loop3A_279 = arith.index_cast %parallel_loop3A_274 : i32 to index
        %parallel_loop3A_280 = arith.index_cast %parallel_loop3A_130 : i32 to index
        %parallel_loop3A_281 = tpu.vector_load %parallel_loop3A_278[%parallel_loop3A_279, %parallel_loop3A_280] {strides = array<i32>} : memref<20x1664xf32, #tpu.memory_space<vmem>>, vector<1x16xf32>,
        %parallel_loop3A_282 = vector.shape_cast %parallel_loop3A_281 : vector<1x16xf32> to vector<16xf32>
        %parallel_loop3A_283 = arith.mulf %parallel_loop3A_282, %parallel_loop3A_133 : vector<16xf32>
        %parallel_loop3A_284 = arith.constant 7 : i32
        %parallel_loop3A_285 = arith.constant 0 : i32
        %parallel_loop3A_286 = arith.constant 0 : i32
        %parallel_loop3A_287 = tpu.memref_slice %arg9[%rem3A_62, %parallel_loop3A_285, %parallel_loop3A_286] : memref<2x20x1664xf32, #tpu.memory_space<vmem>> -> memref<1x20x1664xf32, #tpu.memory_space<vmem>>
        %parallel_loop3A_288 = tpu.memref_squeeze %parallel_loop3A_287 : memref<1x20x1664xf32, #tpu.memory_space<vmem>> -> memref<20x1664xf32, #tpu.memory_space<vmem>>
        %parallel_loop3A_289 = arith.index_cast %parallel_loop3A_284 : i32 to index
        %parallel_loop3A_290 = arith.index_cast %parallel_loop3A_130 : i32 to index
        %parallel_loop3A_291 = tpu.vector_load %parallel_loop3A_288[%parallel_loop3A_289, %parallel_loop3A_290] {strides = array<i32>} : memref<20x1664xf32, #tpu.memory_space<vmem>>, vector<1x16xf32>,
        %parallel_loop3A_292 = vector.shape_cast %parallel_loop3A_291 : vector<1x16xf32> to vector<16xf32>
        %parallel_loop3A_293 = vector.shape_cast %parallel_loop3A_283 : vector<16xf32> to vector<1x16xf32>
        tpu.vector_store %parallel_loop3A_288[%parallel_loop3A_289, %parallel_loop3A_290], %parallel_loop3A_293 {strides = array<i32>} : memref<20x1664xf32, #tpu.memory_space<vmem>>, vector<1x16xf32>,
        %parallel_loop3A_294 = arith.constant 8 : i32
        %parallel_loop3A_295 = arith.constant 0 : i32
        %parallel_loop3A_296 = arith.constant 0 : i32
        %parallel_loop3A_297 = tpu.memref_slice %arg9[%rem3A_62, %parallel_loop3A_295, %parallel_loop3A_296] : memref<2x20x1664xf32, #tpu.memory_space<vmem>> -> memref<1x20x1664xf32, #tpu.memory_space<vmem>>
        %parallel_loop3A_298 = tpu.memref_squeeze %parallel_loop3A_297 : memref<1x20x1664xf32, #tpu.memory_space<vmem>> -> memref<20x1664xf32, #tpu.memory_space<vmem>>
        %parallel_loop3A_299 = arith.index_cast %parallel_loop3A_294 : i32 to index
        %parallel_loop3A_300 = arith.index_cast %parallel_loop3A_130 : i32 to index
        %parallel_loop3A_301 = tpu.vector_load %parallel_loop3A_298[%parallel_loop3A_299, %parallel_loop3A_300] {strides = array<i32>} : memref<20x1664xf32, #tpu.memory_space<vmem>>, vector<1x16xf32>,
        %parallel_loop3A_302 = vector.shape_cast %parallel_loop3A_301 : vector<1x16xf32> to vector<16xf32>
        %parallel_loop3A_303 = arith.mulf %parallel_loop3A_302, %parallel_loop3A_133 : vector<16xf32>
        %parallel_loop3A_304 = arith.constant 8 : i32
        %parallel_loop3A_305 = arith.constant 0 : i32
        %parallel_loop3A_306 = arith.constant 0 : i32
        %parallel_loop3A_307 = tpu.memref_slice %arg9[%rem3A_62, %parallel_loop3A_305, %parallel_loop3A_306] : memref<2x20x1664xf32, #tpu.memory_space<vmem>> -> memref<1x20x1664xf32, #tpu.memory_space<vmem>>
        %parallel_loop3A_308 = tpu.memref_squeeze %parallel_loop3A_307 : memref<1x20x1664xf32, #tpu.memory_space<vmem>> -> memref<20x1664xf32, #tpu.memory_space<vmem>>
        %parallel_loop3A_309 = arith.index_cast %parallel_loop3A_304 : i32 to index
        %parallel_loop3A_310 = arith.index_cast %parallel_loop3A_130 : i32 to index
        %parallel_loop3A_311 = tpu.vector_load %parallel_loop3A_308[%parallel_loop3A_309, %parallel_loop3A_310] {strides = array<i32>} : memref<20x1664xf32, #tpu.memory_space<vmem>>, vector<1x16xf32>,
        %parallel_loop3A_312 = vector.shape_cast %parallel_loop3A_311 : vector<1x16xf32> to vector<16xf32>
        %parallel_loop3A_313 = vector.shape_cast %parallel_loop3A_303 : vector<16xf32> to vector<1x16xf32>
        tpu.vector_store %parallel_loop3A_308[%parallel_loop3A_309, %parallel_loop3A_310], %parallel_loop3A_313 {strides = array<i32>} : memref<20x1664xf32, #tpu.memory_space<vmem>>, vector<1x16xf32>,
        %parallel_loop3A_314 = arith.constant 9 : i32
        %parallel_loop3A_315 = arith.constant 0 : i32
        %parallel_loop3A_316 = arith.constant 0 : i32
        %parallel_loop3A_317 = tpu.memref_slice %arg9[%rem3A_62, %parallel_loop3A_315, %parallel_loop3A_316] : memref<2x20x1664xf32, #tpu.memory_space<vmem>> -> memref<1x20x1664xf32, #tpu.memory_space<vmem>>
        %parallel_loop3A_318 = tpu.memref_squeeze %parallel_loop3A_317 : memref<1x20x1664xf32, #tpu.memory_space<vmem>> -> memref<20x1664xf32, #tpu.memory_space<vmem>>
        %parallel_loop3A_319 = arith.index_cast %parallel_loop3A_314 : i32 to index
        %parallel_loop3A_320 = arith.index_cast %parallel_loop3A_130 : i32 to index
        %parallel_loop3A_321 = tpu.vector_load %parallel_loop3A_318[%parallel_loop3A_319, %parallel_loop3A_320] {strides = array<i32>} : memref<20x1664xf32, #tpu.memory_space<vmem>>, vector<1x16xf32>,
        %parallel_loop3A_322 = vector.shape_cast %parallel_loop3A_321 : vector<1x16xf32> to vector<16xf32>
        %parallel_loop3A_323 = arith.mulf %parallel_loop3A_322, %parallel_loop3A_133 : vector<16xf32>
        %parallel_loop3A_324 = arith.constant 9 : i32
        %parallel_loop3A_325 = arith.constant 0 : i32
        %parallel_loop3A_326 = arith.constant 0 : i32
        %parallel_loop3A_327 = tpu.memref_slice %arg9[%rem3A_62, %parallel_loop3A_325, %parallel_loop3A_326] : memref<2x20x1664xf32, #tpu.memory_space<vmem>> -> memref<1x20x1664xf32, #tpu.memory_space<vmem>>
        %parallel_loop3A_328 = tpu.memref_squeeze %parallel_loop3A_327 : memref<1x20x1664xf32, #tpu.memory_space<vmem>> -> memref<20x1664xf32, #tpu.memory_space<vmem>>
        %parallel_loop3A_329 = arith.index_cast %parallel_loop3A_324 : i32 to index
        %parallel_loop3A_330 = arith.index_cast %parallel_loop3A_130 : i32 to index
        %parallel_loop3A_331 = tpu.vector_load %parallel_loop3A_328[%parallel_loop3A_329, %parallel_loop3A_330] {strides = array<i32>} : memref<20x1664xf32, #tpu.memory_space<vmem>>, vector<1x16xf32>,
        %parallel_loop3A_332 = vector.shape_cast %parallel_loop3A_331 : vector<1x16xf32> to vector<16xf32>
        %parallel_loop3A_333 = vector.shape_cast %parallel_loop3A_323 : vector<16xf32> to vector<1x16xf32>
        tpu.vector_store %parallel_loop3A_328[%parallel_loop3A_329, %parallel_loop3A_330], %parallel_loop3A_333 {strides = array<i32>} : memref<20x1664xf32, #tpu.memory_space<vmem>>, vector<1x16xf32>,
        %parallel_loop3A_334 = arith.constant 10 : i32
        %parallel_loop3A_335 = arith.constant 0 : i32
        %parallel_loop3A_336 = arith.constant 0 : i32
        %parallel_loop3A_337 = tpu.memref_slice %arg9[%rem3A_62, %parallel_loop3A_335, %parallel_loop3A_336] : memref<2x20x1664xf32, #tpu.memory_space<vmem>> -> memref<1x20x1664xf32, #tpu.memory_space<vmem>>
        %parallel_loop3A_338 = tpu.memref_squeeze %parallel_loop3A_337 : memref<1x20x1664xf32, #tpu.memory_space<vmem>> -> memref<20x1664xf32, #tpu.memory_space<vmem>>
        %parallel_loop3A_339 = arith.index_cast %parallel_loop3A_334 : i32 to index
        %parallel_loop3A_340 = arith.index_cast %parallel_loop3A_130 : i32 to index
        %parallel_loop3A_341 = tpu.vector_load %parallel_loop3A_338[%parallel_loop3A_339, %parallel_loop3A_340] {strides = array<i32>} : memref<20x1664xf32, #tpu.memory_space<vmem>>, vector<1x16xf32>,
        %parallel_loop3A_342 = vector.shape_cast %parallel_loop3A_341 : vector<1x16xf32> to vector<16xf32>
        %parallel_loop3A_343 = arith.mulf %parallel_loop3A_342, %parallel_loop3A_133 : vector<16xf32>
        %parallel_loop3A_344 = arith.constant 10 : i32
        %parallel_loop3A_345 = arith.constant 0 : i32
        %parallel_loop3A_346 = arith.constant 0 : i32
        %parallel_loop3A_347 = tpu.memref_slice %arg9[%rem3A_62, %parallel_loop3A_345, %parallel_loop3A_346] : memref<2x20x1664xf32, #tpu.memory_space<vmem>> -> memref<1x20x1664xf32, #tpu.memory_space<vmem>>
        %parallel_loop3A_348 = tpu.memref_squeeze %parallel_loop3A_347 : memref<1x20x1664xf32, #tpu.memory_space<vmem>> -> memref<20x1664xf32, #tpu.memory_space<vmem>>
        %parallel_loop3A_349 = arith.index_cast %parallel_loop3A_344 : i32 to index
        %parallel_loop3A_350 = arith.index_cast %parallel_loop3A_130 : i32 to index
        %parallel_loop3A_351 = tpu.vector_load %parallel_loop3A_348[%parallel_loop3A_349, %parallel_loop3A_350] {strides = array<i32>} : memref<20x1664xf32, #tpu.memory_space<vmem>>, vector<1x16xf32>,
        %parallel_loop3A_352 = vector.shape_cast %parallel_loop3A_351 : vector<1x16xf32> to vector<16xf32>
        %parallel_loop3A_353 = vector.shape_cast %parallel_loop3A_343 : vector<16xf32> to vector<1x16xf32>
        tpu.vector_store %parallel_loop3A_348[%parallel_loop3A_349, %parallel_loop3A_350], %parallel_loop3A_353 {strides = array<i32>} : memref<20x1664xf32, #tpu.memory_space<vmem>>, vector<1x16xf32>,
        %parallel_loop3A_354 = arith.constant 11 : i32
        %parallel_loop3A_355 = arith.constant 0 : i32
        %parallel_loop3A_356 = arith.constant 0 : i32
        %parallel_loop3A_357 = tpu.memref_slice %arg9[%rem3A_62, %parallel_loop3A_355, %parallel_loop3A_356] : memref<2x20x1664xf32, #tpu.memory_space<vmem>> -> memref<1x20x1664xf32, #tpu.memory_space<vmem>>
        %parallel_loop3A_358 = tpu.memref_squeeze %parallel_loop3A_357 : memref<1x20x1664xf32, #tpu.memory_space<vmem>> -> memref<20x1664xf32, #tpu.memory_space<vmem>>
        %parallel_loop3A_359 = arith.index_cast %parallel_loop3A_354 : i32 to index
        %parallel_loop3A_360 = arith.index_cast %parallel_loop3A_130 : i32 to index
        %parallel_loop3A_361 = tpu.vector_load %parallel_loop3A_358[%parallel_loop3A_359, %parallel_loop3A_360] {strides = array<i32>} : memref<20x1664xf32, #tpu.memory_space<vmem>>, vector<1x16xf32>,
        %parallel_loop3A_362 = vector.shape_cast %parallel_loop3A_361 : vector<1x16xf32> to vector<16xf32>
        %parallel_loop3A_363 = arith.mulf %parallel_loop3A_362, %parallel_loop3A_133 : vector<16xf32>
        %parallel_loop3A_364 = arith.constant 11 : i32
        %parallel_loop3A_365 = arith.constant 0 : i32
        %parallel_loop3A_366 = arith.constant 0 : i32
        %parallel_loop3A_367 = tpu.memref_slice %arg9[%rem3A_62, %parallel_loop3A_365, %parallel_loop3A_366] : memref<2x20x1664xf32, #tpu.memory_space<vmem>> -> memref<1x20x1664xf32, #tpu.memory_space<vmem>>
        %parallel_loop3A_368 = tpu.memref_squeeze %parallel_loop3A_367 : memref<1x20x1664xf32, #tpu.memory_space<vmem>> -> memref<20x1664xf32, #tpu.memory_space<vmem>>
        %parallel_loop3A_369 = arith.index_cast %parallel_loop3A_364 : i32 to index
        %parallel_loop3A_370 = arith.index_cast %parallel_loop3A_130 : i32 to index
        %parallel_loop3A_371 = tpu.vector_load %parallel_loop3A_368[%parallel_loop3A_369, %parallel_loop3A_370] {strides = array<i32>} : memref<20x1664xf32, #tpu.memory_space<vmem>>, vector<1x16xf32>,
        %parallel_loop3A_372 = vector.shape_cast %parallel_loop3A_371 : vector<1x16xf32> to vector<16xf32>
        %parallel_loop3A_373 = vector.shape_cast %parallel_loop3A_363 : vector<16xf32> to vector<1x16xf32>
        tpu.vector_store %parallel_loop3A_368[%parallel_loop3A_369, %parallel_loop3A_370], %parallel_loop3A_373 {strides = array<i32>} : memref<20x1664xf32, #tpu.memory_space<vmem>>, vector<1x16xf32>,
        %parallel_loop3A_374 = arith.constant 12 : i32
        %parallel_loop3A_375 = arith.constant 0 : i32
        %parallel_loop3A_376 = arith.constant 0 : i32
        %parallel_loop3A_377 = tpu.memref_slice %arg9[%rem3A_62, %parallel_loop3A_375, %parallel_loop3A_376] : memref<2x20x1664xf32, #tpu.memory_space<vmem>> -> memref<1x20x1664xf32, #tpu.memory_space<vmem>>
        %parallel_loop3A_378 = tpu.memref_squeeze %parallel_loop3A_377 : memref<1x20x1664xf32, #tpu.memory_space<vmem>> -> memref<20x1664xf32, #tpu.memory_space<vmem>>
        %parallel_loop3A_379 = arith.index_cast %parallel_loop3A_374 : i32 to index
        %parallel_loop3A_380 = arith.index_cast %parallel_loop3A_130 : i32 to index
        %parallel_loop3A_381 = tpu.vector_load %parallel_loop3A_378[%parallel_loop3A_379, %parallel_loop3A_380] {strides = array<i32>} : memref<20x1664xf32, #tpu.memory_space<vmem>>, vector<1x16xf32>,
        %parallel_loop3A_382 = vector.shape_cast %parallel_loop3A_381 : vector<1x16xf32> to vector<16xf32>
        %parallel_loop3A_383 = arith.mulf %parallel_loop3A_382, %parallel_loop3A_133 : vector<16xf32>
        %parallel_loop3A_384 = arith.constant 12 : i32
        %parallel_loop3A_385 = arith.constant 0 : i32
        %parallel_loop3A_386 = arith.constant 0 : i32
        %parallel_loop3A_387 = tpu.memref_slice %arg9[%rem3A_62, %parallel_loop3A_385, %parallel_loop3A_386] : memref<2x20x1664xf32, #tpu.memory_space<vmem>> -> memref<1x20x1664xf32, #tpu.memory_space<vmem>>
        %parallel_loop3A_388 = tpu.memref_squeeze %parallel_loop3A_387 : memref<1x20x1664xf32, #tpu.memory_space<vmem>> -> memref<20x1664xf32, #tpu.memory_space<vmem>>
        %parallel_loop3A_389 = arith.index_cast %parallel_loop3A_384 : i32 to index
        %parallel_loop3A_390 = arith.index_cast %parallel_loop3A_130 : i32 to index
        %parallel_loop3A_391 = tpu.vector_load %parallel_loop3A_388[%parallel_loop3A_389, %parallel_loop3A_390] {strides = array<i32>} : memref<20x1664xf32, #tpu.memory_space<vmem>>, vector<1x16xf32>,
        %parallel_loop3A_392 = vector.shape_cast %parallel_loop3A_391 : vector<1x16xf32> to vector<16xf32>
        %parallel_loop3A_393 = vector.shape_cast %parallel_loop3A_383 : vector<16xf32> to vector<1x16xf32>
        tpu.vector_store %parallel_loop3A_388[%parallel_loop3A_389, %parallel_loop3A_390], %parallel_loop3A_393 {strides = array<i32>} : memref<20x1664xf32, #tpu.memory_space<vmem>>, vector<1x16xf32>,
        %parallel_loop3A_394 = arith.constant 13 : i32
        %parallel_loop3A_395 = arith.constant 0 : i32
        %parallel_loop3A_396 = arith.constant 0 : i32
        %parallel_loop3A_397 = tpu.memref_slice %arg9[%rem3A_62, %parallel_loop3A_395, %parallel_loop3A_396] : memref<2x20x1664xf32, #tpu.memory_space<vmem>> -> memref<1x20x1664xf32, #tpu.memory_space<vmem>>
        %parallel_loop3A_398 = tpu.memref_squeeze %parallel_loop3A_397 : memref<1x20x1664xf32, #tpu.memory_space<vmem>> -> memref<20x1664xf32, #tpu.memory_space<vmem>>
        %parallel_loop3A_399 = arith.index_cast %parallel_loop3A_394 : i32 to index
        %parallel_loop3A_400 = arith.index_cast %parallel_loop3A_130 : i32 to index
        %parallel_loop3A_401 = tpu.vector_load %parallel_loop3A_398[%parallel_loop3A_399, %parallel_loop3A_400] {strides = array<i32>} : memref<20x1664xf32, #tpu.memory_space<vmem>>, vector<1x16xf32>,
        %parallel_loop3A_402 = vector.shape_cast %parallel_loop3A_401 : vector<1x16xf32> to vector<16xf32>
        %parallel_loop3A_403 = arith.mulf %parallel_loop3A_402, %parallel_loop3A_133 : vector<16xf32>
        %parallel_loop3A_404 = arith.constant 13 : i32
        %parallel_loop3A_405 = arith.constant 0 : i32
        %parallel_loop3A_406 = arith.constant 0 : i32
        %parallel_loop3A_407 = tpu.memref_slice %arg9[%rem3A_62, %parallel_loop3A_405, %parallel_loop3A_406] : memref<2x20x1664xf32, #tpu.memory_space<vmem>> -> memref<1x20x1664xf32, #tpu.memory_space<vmem>>
        %parallel_loop3A_408 = tpu.memref_squeeze %parallel_loop3A_407 : memref<1x20x1664xf32, #tpu.memory_space<vmem>> -> memref<20x1664xf32, #tpu.memory_space<vmem>>
        %parallel_loop3A_409 = arith.index_cast %parallel_loop3A_404 : i32 to index
        %parallel_loop3A_410 = arith.index_cast %parallel_loop3A_130 : i32 to index
        %parallel_loop3A_411 = tpu.vector_load %parallel_loop3A_408[%parallel_loop3A_409, %parallel_loop3A_410] {strides = array<i32>} : memref<20x1664xf32, #tpu.memory_space<vmem>>, vector<1x16xf32>,
        %parallel_loop3A_412 = vector.shape_cast %parallel_loop3A_411 : vector<1x16xf32> to vector<16xf32>
        %parallel_loop3A_413 = vector.shape_cast %parallel_loop3A_403 : vector<16xf32> to vector<1x16xf32>
        tpu.vector_store %parallel_loop3A_408[%parallel_loop3A_409, %parallel_loop3A_410], %parallel_loop3A_413 {strides = array<i32>} : memref<20x1664xf32, #tpu.memory_space<vmem>>, vector<1x16xf32>,
        %parallel_loop3A_414 = arith.constant 14 : i32
        %parallel_loop3A_415 = arith.constant 0 : i32
        %parallel_loop3A_416 = arith.constant 0 : i32
        %parallel_loop3A_417 = tpu.memref_slice %arg9[%rem3A_62, %parallel_loop3A_415, %parallel_loop3A_416] : memref<2x20x1664xf32, #tpu.memory_space<vmem>> -> memref<1x20x1664xf32, #tpu.memory_space<vmem>>
        %parallel_loop3A_418 = tpu.memref_squeeze %parallel_loop3A_417 : memref<1x20x1664xf32, #tpu.memory_space<vmem>> -> memref<20x1664xf32, #tpu.memory_space<vmem>>
        %parallel_loop3A_419 = arith.index_cast %parallel_loop3A_414 : i32 to index
        %parallel_loop3A_420 = arith.index_cast %parallel_loop3A_130 : i32 to index
        %parallel_loop3A_421 = tpu.vector_load %parallel_loop3A_418[%parallel_loop3A_419, %parallel_loop3A_420] {strides = array<i32>} : memref<20x1664xf32, #tpu.memory_space<vmem>>, vector<1x16xf32>,
        %parallel_loop3A_422 = vector.shape_cast %parallel_loop3A_421 : vector<1x16xf32> to vector<16xf32>
        %parallel_loop3A_423 = arith.mulf %parallel_loop3A_422, %parallel_loop3A_133 : vector<16xf32>
        %parallel_loop3A_424 = arith.constant 14 : i32
        %parallel_loop3A_425 = arith.constant 0 : i32
        %parallel_loop3A_426 = arith.constant 0 : i32
        %parallel_loop3A_427 = tpu.memref_slice %arg9[%rem3A_62, %parallel_loop3A_425, %parallel_loop3A_426] : memref<2x20x1664xf32, #tpu.memory_space<vmem>> -> memref<1x20x1664xf32, #tpu.memory_space<vmem>>
        %parallel_loop3A_428 = tpu.memref_squeeze %parallel_loop3A_427 : memref<1x20x1664xf32, #tpu.memory_space<vmem>> -> memref<20x1664xf32, #tpu.memory_space<vmem>>
        %parallel_loop3A_429 = arith.index_cast %parallel_loop3A_424 : i32 to index
        %parallel_loop3A_430 = arith.index_cast %parallel_loop3A_130 : i32 to index
        %parallel_loop3A_431 = tpu.vector_load %parallel_loop3A_428[%parallel_loop3A_429, %parallel_loop3A_430] {strides = array<i32>} : memref<20x1664xf32, #tpu.memory_space<vmem>>, vector<1x16xf32>,
        %parallel_loop3A_432 = vector.shape_cast %parallel_loop3A_431 : vector<1x16xf32> to vector<16xf32>
        %parallel_loop3A_433 = vector.shape_cast %parallel_loop3A_423 : vector<16xf32> to vector<1x16xf32>
        tpu.vector_store %parallel_loop3A_428[%parallel_loop3A_429, %parallel_loop3A_430], %parallel_loop3A_433 {strides = array<i32>} : memref<20x1664xf32, #tpu.memory_space<vmem>>, vector<1x16xf32>,
        %parallel_loop3A_434 = arith.constant 15 : i32
        %parallel_loop3A_435 = arith.constant 0 : i32
        %parallel_loop3A_436 = arith.constant 0 : i32
        %parallel_loop3A_437 = tpu.memref_slice %arg9[%rem3A_62, %parallel_loop3A_435, %parallel_loop3A_436] : memref<2x20x1664xf32, #tpu.memory_space<vmem>> -> memref<1x20x1664xf32, #tpu.memory_space<vmem>>
        %parallel_loop3A_438 = tpu.memref_squeeze %parallel_loop3A_437 : memref<1x20x1664xf32, #tpu.memory_space<vmem>> -> memref<20x1664xf32, #tpu.memory_space<vmem>>
        %parallel_loop3A_439 = arith.index_cast %parallel_loop3A_434 : i32 to index
        %parallel_loop3A_440 = arith.index_cast %parallel_loop3A_130 : i32 to index
        %parallel_loop3A_441 = tpu.vector_load %parallel_loop3A_438[%parallel_loop3A_439, %parallel_loop3A_440] {strides = array<i32>} : memref<20x1664xf32, #tpu.memory_space<vmem>>, vector<1x16xf32>,
        %parallel_loop3A_442 = vector.shape_cast %parallel_loop3A_441 : vector<1x16xf32> to vector<16xf32>
        %parallel_loop3A_443 = arith.mulf %parallel_loop3A_442, %parallel_loop3A_133 : vector<16xf32>
        %parallel_loop3A_444 = arith.constant 15 : i32
        %parallel_loop3A_445 = arith.constant 0 : i32
        %parallel_loop3A_446 = arith.constant 0 : i32
        %parallel_loop3A_447 = tpu.memref_slice %arg9[%rem3A_62, %parallel_loop3A_445, %parallel_loop3A_446] : memref<2x20x1664xf32, #tpu.memory_space<vmem>> -> memref<1x20x1664xf32, #tpu.memory_space<vmem>>
        %parallel_loop3A_448 = tpu.memref_squeeze %parallel_loop3A_447 : memref<1x20x1664xf32, #tpu.memory_space<vmem>> -> memref<20x1664xf32, #tpu.memory_space<vmem>>
        %parallel_loop3A_449 = arith.index_cast %parallel_loop3A_444 : i32 to index
        %parallel_loop3A_450 = arith.index_cast %parallel_loop3A_130 : i32 to index
        %parallel_loop3A_451 = tpu.vector_load %parallel_loop3A_448[%parallel_loop3A_449, %parallel_loop3A_450] {strides = array<i32>} : memref<20x1664xf32, #tpu.memory_space<vmem>>, vector<1x16xf32>,
        %parallel_loop3A_452 = vector.shape_cast %parallel_loop3A_451 : vector<1x16xf32> to vector<16xf32>
        %parallel_loop3A_453 = vector.shape_cast %parallel_loop3A_443 : vector<16xf32> to vector<1x16xf32>
        tpu.vector_store %parallel_loop3A_448[%parallel_loop3A_449, %parallel_loop3A_450], %parallel_loop3A_453 {strides = array<i32>} : memref<20x1664xf32, #tpu.memory_space<vmem>>, vector<1x16xf32>,
        %parallel_loop3A_454 = arith.constant 16 : i32
        %parallel_loop3A_455 = arith.constant 0 : i32
        %parallel_loop3A_456 = arith.constant 0 : i32
        %parallel_loop3A_457 = tpu.memref_slice %arg9[%rem3A_62, %parallel_loop3A_455, %parallel_loop3A_456] : memref<2x20x1664xf32, #tpu.memory_space<vmem>> -> memref<1x20x1664xf32, #tpu.memory_space<vmem>>
        %parallel_loop3A_458 = tpu.memref_squeeze %parallel_loop3A_457 : memref<1x20x1664xf32, #tpu.memory_space<vmem>> -> memref<20x1664xf32, #tpu.memory_space<vmem>>
        %parallel_loop3A_459 = arith.index_cast %parallel_loop3A_454 : i32 to index
        %parallel_loop3A_460 = arith.index_cast %parallel_loop3A_130 : i32 to index
        %parallel_loop3A_461 = tpu.vector_load %parallel_loop3A_458[%parallel_loop3A_459, %parallel_loop3A_460] {strides = array<i32>} : memref<20x1664xf32, #tpu.memory_space<vmem>>, vector<1x16xf32>,
        %parallel_loop3A_462 = vector.shape_cast %parallel_loop3A_461 : vector<1x16xf32> to vector<16xf32>
        %parallel_loop3A_463 = arith.mulf %parallel_loop3A_462, %parallel_loop3A_133 : vector<16xf32>
        %parallel_loop3A_464 = arith.constant 16 : i32
        %parallel_loop3A_465 = arith.constant 0 : i32
        %parallel_loop3A_466 = arith.constant 0 : i32
        %parallel_loop3A_467 = tpu.memref_slice %arg9[%rem3A_62, %parallel_loop3A_465, %parallel_loop3A_466] : memref<2x20x1664xf32, #tpu.memory_space<vmem>> -> memref<1x20x1664xf32, #tpu.memory_space<vmem>>
        %parallel_loop3A_468 = tpu.memref_squeeze %parallel_loop3A_467 : memref<1x20x1664xf32, #tpu.memory_space<vmem>> -> memref<20x1664xf32, #tpu.memory_space<vmem>>
        %parallel_loop3A_469 = arith.index_cast %parallel_loop3A_464 : i32 to index
        %parallel_loop3A_470 = arith.index_cast %parallel_loop3A_130 : i32 to index
        %parallel_loop3A_471 = tpu.vector_load %parallel_loop3A_468[%parallel_loop3A_469, %parallel_loop3A_470] {strides = array<i32>} : memref<20x1664xf32, #tpu.memory_space<vmem>>, vector<1x16xf32>,
        %parallel_loop3A_472 = vector.shape_cast %parallel_loop3A_471 : vector<1x16xf32> to vector<16xf32>
        %parallel_loop3A_473 = vector.shape_cast %parallel_loop3A_463 : vector<16xf32> to vector<1x16xf32>
        tpu.vector_store %parallel_loop3A_468[%parallel_loop3A_469, %parallel_loop3A_470], %parallel_loop3A_473 {strides = array<i32>} : memref<20x1664xf32, #tpu.memory_space<vmem>>, vector<1x16xf32>,
        %parallel_loop3A_474 = arith.constant 17 : i32
        %parallel_loop3A_475 = arith.constant 0 : i32
        %parallel_loop3A_476 = arith.constant 0 : i32
        %parallel_loop3A_477 = tpu.memref_slice %arg9[%rem3A_62, %parallel_loop3A_475, %parallel_loop3A_476] : memref<2x20x1664xf32, #tpu.memory_space<vmem>> -> memref<1x20x1664xf32, #tpu.memory_space<vmem>>
        %parallel_loop3A_478 = tpu.memref_squeeze %parallel_loop3A_477 : memref<1x20x1664xf32, #tpu.memory_space<vmem>> -> memref<20x1664xf32, #tpu.memory_space<vmem>>
        %parallel_loop3A_479 = arith.index_cast %parallel_loop3A_474 : i32 to index
        %parallel_loop3A_480 = arith.index_cast %parallel_loop3A_130 : i32 to index
        %parallel_loop3A_481 = tpu.vector_load %parallel_loop3A_478[%parallel_loop3A_479, %parallel_loop3A_480] {strides = array<i32>} : memref<20x1664xf32, #tpu.memory_space<vmem>>, vector<1x16xf32>,
        %parallel_loop3A_482 = vector.shape_cast %parallel_loop3A_481 : vector<1x16xf32> to vector<16xf32>
        %parallel_loop3A_483 = arith.mulf %parallel_loop3A_482, %parallel_loop3A_133 : vector<16xf32>
        %parallel_loop3A_484 = arith.constant 17 : i32
        %parallel_loop3A_485 = arith.constant 0 : i32
        %parallel_loop3A_486 = arith.constant 0 : i32
        %parallel_loop3A_487 = tpu.memref_slice %arg9[%rem3A_62, %parallel_loop3A_485, %parallel_loop3A_486] : memref<2x20x1664xf32, #tpu.memory_space<vmem>> -> memref<1x20x1664xf32, #tpu.memory_space<vmem>>
        %parallel_loop3A_488 = tpu.memref_squeeze %parallel_loop3A_487 : memref<1x20x1664xf32, #tpu.memory_space<vmem>> -> memref<20x1664xf32, #tpu.memory_space<vmem>>
        %parallel_loop3A_489 = arith.index_cast %parallel_loop3A_484 : i32 to index
        %parallel_loop3A_490 = arith.index_cast %parallel_loop3A_130 : i32 to index
        %parallel_loop3A_491 = tpu.vector_load %parallel_loop3A_488[%parallel_loop3A_489, %parallel_loop3A_490] {strides = array<i32>} : memref<20x1664xf32, #tpu.memory_space<vmem>>, vector<1x16xf32>,
        %parallel_loop3A_492 = vector.shape_cast %parallel_loop3A_491 : vector<1x16xf32> to vector<16xf32>
        %parallel_loop3A_493 = vector.shape_cast %parallel_loop3A_483 : vector<16xf32> to vector<1x16xf32>
        tpu.vector_store %parallel_loop3A_488[%parallel_loop3A_489, %parallel_loop3A_490], %parallel_loop3A_493 {strides = array<i32>} : memref<20x1664xf32, #tpu.memory_space<vmem>>, vector<1x16xf32>,
        %parallel_loop3A_494 = arith.constant 18 : i32
        %parallel_loop3A_495 = arith.constant 0 : i32
        %parallel_loop3A_496 = arith.constant 0 : i32
        %parallel_loop3A_497 = tpu.memref_slice %arg9[%rem3A_62, %parallel_loop3A_495, %parallel_loop3A_496] : memref<2x20x1664xf32, #tpu.memory_space<vmem>> -> memref<1x20x1664xf32, #tpu.memory_space<vmem>>
        %parallel_loop3A_498 = tpu.memref_squeeze %parallel_loop3A_497 : memref<1x20x1664xf32, #tpu.memory_space<vmem>> -> memref<20x1664xf32, #tpu.memory_space<vmem>>
        %parallel_loop3A_499 = arith.index_cast %parallel_loop3A_494 : i32 to index
        %parallel_loop3A_500 = arith.index_cast %parallel_loop3A_130 : i32 to index
        %parallel_loop3A_501 = tpu.vector_load %parallel_loop3A_498[%parallel_loop3A_499, %parallel_loop3A_500] {strides = array<i32>} : memref<20x1664xf32, #tpu.memory_space<vmem>>, vector<1x16xf32>,
        %parallel_loop3A_502 = vector.shape_cast %parallel_loop3A_501 : vector<1x16xf32> to vector<16xf32>
        %parallel_loop3A_503 = arith.mulf %parallel_loop3A_502, %parallel_loop3A_133 : vector<16xf32>
        %parallel_loop3A_504 = arith.constant 18 : i32
        %parallel_loop3A_505 = arith.constant 0 : i32
        %parallel_loop3A_506 = arith.constant 0 : i32
        %parallel_loop3A_507 = tpu.memref_slice %arg9[%rem3A_62, %parallel_loop3A_505, %parallel_loop3A_506] : memref<2x20x1664xf32, #tpu.memory_space<vmem>> -> memref<1x20x1664xf32, #tpu.memory_space<vmem>>
        %parallel_loop3A_508 = tpu.memref_squeeze %parallel_loop3A_507 : memref<1x20x1664xf32, #tpu.memory_space<vmem>> -> memref<20x1664xf32, #tpu.memory_space<vmem>>
        %parallel_loop3A_509 = arith.index_cast %parallel_loop3A_504 : i32 to index
        %parallel_loop3A_510 = arith.index_cast %parallel_loop3A_130 : i32 to index
        %parallel_loop3A_511 = tpu.vector_load %parallel_loop3A_508[%parallel_loop3A_509, %parallel_loop3A_510] {strides = array<i32>} : memref<20x1664xf32, #tpu.memory_space<vmem>>, vector<1x16xf32>,
        %parallel_loop3A_512 = vector.shape_cast %parallel_loop3A_511 : vector<1x16xf32> to vector<16xf32>
        %parallel_loop3A_513 = vector.shape_cast %parallel_loop3A_503 : vector<16xf32> to vector<1x16xf32>
        tpu.vector_store %parallel_loop3A_508[%parallel_loop3A_509, %parallel_loop3A_510], %parallel_loop3A_513 {strides = array<i32>} : memref<20x1664xf32, #tpu.memory_space<vmem>>, vector<1x16xf32>,
        %parallel_loop3A_514 = arith.constant 19 : i32
        %parallel_loop3A_515 = arith.constant 0 : i32
        %parallel_loop3A_516 = arith.constant 0 : i32
        %parallel_loop3A_517 = tpu.memref_slice %arg9[%rem3A_62, %parallel_loop3A_515, %parallel_loop3A_516] : memref<2x20x1664xf32, #tpu.memory_space<vmem>> -> memref<1x20x1664xf32, #tpu.memory_space<vmem>>
        %parallel_loop3A_518 = tpu.memref_squeeze %parallel_loop3A_517 : memref<1x20x1664xf32, #tpu.memory_space<vmem>> -> memref<20x1664xf32, #tpu.memory_space<vmem>>
        %parallel_loop3A_519 = arith.index_cast %parallel_loop3A_514 : i32 to index
        %parallel_loop3A_520 = arith.index_cast %parallel_loop3A_130 : i32 to index
        %parallel_loop3A_521 = tpu.vector_load %parallel_loop3A_518[%parallel_loop3A_519, %parallel_loop3A_520] {strides = array<i32>} : memref<20x1664xf32, #tpu.memory_space<vmem>>, vector<1x16xf32>,
        %parallel_loop3A_522 = vector.shape_cast %parallel_loop3A_521 : vector<1x16xf32> to vector<16xf32>
        %parallel_loop3A_523 = arith.mulf %parallel_loop3A_522, %parallel_loop3A_133 : vector<16xf32>
        %parallel_loop3A_524 = arith.constant 19 : i32
        %parallel_loop3A_525 = arith.constant 0 : i32
        %parallel_loop3A_526 = arith.constant 0 : i32
        %parallel_loop3A_527 = tpu.memref_slice %arg9[%rem3A_62, %parallel_loop3A_525, %parallel_loop3A_526] : memref<2x20x1664xf32, #tpu.memory_space<vmem>> -> memref<1x20x1664xf32, #tpu.memory_space<vmem>>
        %parallel_loop3A_528 = tpu.memref_squeeze %parallel_loop3A_527 : memref<1x20x1664xf32, #tpu.memory_space<vmem>> -> memref<20x1664xf32, #tpu.memory_space<vmem>>
        %parallel_loop3A_529 = arith.index_cast %parallel_loop3A_524 : i32 to index
        %parallel_loop3A_530 = arith.index_cast %parallel_loop3A_130 : i32 to index
        %parallel_loop3A_531 = tpu.vector_load %parallel_loop3A_528[%parallel_loop3A_529, %parallel_loop3A_530] {strides = array<i32>} : memref<20x1664xf32, #tpu.memory_space<vmem>>, vector<1x16xf32>,
        %parallel_loop3A_532 = vector.shape_cast %parallel_loop3A_531 : vector<1x16xf32> to vector<16xf32>
        %parallel_loop3A_533 = vector.shape_cast %parallel_loop3A_523 : vector<16xf32> to vector<1x16xf32>
        tpu.vector_store %parallel_loop3A_528[%parallel_loop3A_529, %parallel_loop3A_530], %parallel_loop3A_533 {strides = array<i32>} : memref<20x1664xf32, #tpu.memory_space<vmem>>, vector<1x16xf32>,
      } {sc.loop_unroll_factor = 1 : i64, sc.parallel_access}
      %add3A_109 = arith.addi %mul3A_2, %scan3A_60 : i32
      %dma_start3A_110 = arith.constant 0 : i32
      %dma_start3A_111 = arith.constant 0 : i32
      %dma_start3A_112 = tpu.memref_slice %arg9[%rem3A_62, %dma_start3A_110, %dma_start3A_111] : memref<2x20x1664xf32, #tpu.memory_space<vmem>> -> memref<1x20x1664xf32, #tpu.memory_space<vmem>>
      %dma_start3A_113 = tpu.memref_squeeze %dma_start3A_112 : memref<1x20x1664xf32, #tpu.memory_space<vmem>> -> memref<20x1664xf32, #tpu.memory_space<vmem>>
      %dma_start3A_114 = arith.constant 0 : i32
      %dma_start3A_115 = arith.constant 0 : i32
      %dma_start3A_116 = tpu.memref_slice %arg6[%add3A_109, %dma_start3A_114, %dma_start3A_115] : memref<1024x20x1664xf32, #tpu.memory_space<hbm>> -> memref<1x20x1664xf32, #tpu.memory_space<hbm>>
      %dma_start3A_117 = tpu.memref_squeeze %dma_start3A_116 : memref<1x20x1664xf32, #tpu.memory_space<hbm>> -> memref<20x1664xf32, #tpu.memory_space<hbm>>
      %dma_start3A_118 = tpu.memref_slice %arg14[%rem3A_62] : memref<2x!tpu.dma_semaphore, #tpu.memory_space<semaphore_mem>> -> memref<1x!tpu.dma_semaphore, #tpu.memory_space<semaphore_mem>>
      %dma_start3A_119 = tpu.memref_squeeze %dma_start3A_118 : memref<1x!tpu.dma_semaphore, #tpu.memory_space<semaphore_mem>> -> memref<!tpu.dma_semaphore, #tpu.memory_space<semaphore_mem>>
      %dma_start3A_120 = arith.constant 0 : i32
      %dma_start3A_121 = arith.constant 0 : i32
      %dma_start3A_122 = tpu.memref_slice %arg6[%add3A_109, %dma_start3A_120, %dma_start3A_121] : memref<1024x20x1664xf32, #tpu.memory_space<hbm>> -> memref<1x20x1664xf32, #tpu.memory_space<hbm>>
      %dma_start3A_123 = tpu.memref_squeeze %dma_start3A_122 : memref<1x20x1664xf32, #tpu.memory_space<hbm>> -> memref<20x1664xf32, #tpu.memory_space<hbm>>
      %dma_start3A_124 = arith.constant 0 : i32
      %dma_start3A_125 = arith.constant 0 : i32
      %dma_start3A_126 = tpu.memref_slice %arg9[%rem3A_62, %dma_start3A_124, %dma_start3A_125] : memref<2x20x1664xf32, #tpu.memory_space<vmem>> -> memref<1x20x1664xf32, #tpu.memory_space<vmem>>
      %dma_start3A_127 = tpu.memref_squeeze %dma_start3A_126 : memref<1x20x1664xf32, #tpu.memory_space<vmem>> -> memref<20x1664xf32, #tpu.memory_space<vmem>>
      tpu.enqueue_dma source(%dma_start3A_127 : memref<20x1664xf32, #tpu.memory_space<vmem>>) target(%dma_start3A_123 : memref<20x1664xf32, #tpu.memory_space<hbm>>) target_semaphore(%dma_start3A_119 : memref<!tpu.dma_semaphore, #tpu.memory_space<semaphore_mem>>)
    }
    %scan3A_28 = arith.constant 32 : i32
    %add3A_29 = arith.constant 31 : i32
    %add3A_30 = arith.addi %mul3A_2, %add3A_29 : i32
    %dma_wait3A = arith.constant 0 : i32
    %dma_wait3A_31 = arith.constant 0 : i32
    %dma_wait3A_32 = tpu.memref_slice %arg5[%add3A_30, %dma_wait3A, %dma_wait3A_31] : memref<1024x20x1664xf32, #tpu.memory_space<hbm>> -> memref<1x20x1664xf32, #tpu.memory_space<hbm>>
    %dma_wait3A_33 = tpu.memref_squeeze %dma_wait3A_32 : memref<1x20x1664xf32, #tpu.memory_space<hbm>> -> memref<20x1664xf32, #tpu.memory_space<hbm>>
    %dma_wait3A_34 = arith.constant 0 : i32
    %dma_wait3A_35 = arith.constant 0 : i32
    %dma_wait3A_36 = tpu.memref_slice %arg5[%add3A_30, %dma_wait3A_34, %dma_wait3A_35] : memref<1024x20x1664xf32, #tpu.memory_space<hbm>> -> memref<1x20x1664xf32, #tpu.memory_space<hbm>>
    %dma_wait3A_37 = tpu.memref_squeeze %dma_wait3A_36 : memref<1x20x1664xf32, #tpu.memory_space<hbm>> -> memref<20x1664xf32, #tpu.memory_space<hbm>>
    tpu.wait_dma2 semaphore(%arg13 : memref<!tpu.dma_semaphore, #tpu.memory_space<semaphore_mem>>) src(%arg10 : memref<20x1664xf32, #tpu.memory_space<vmem>>) dst(%dma_wait3A_37 : memref<20x1664xf32, #tpu.memory_space<hbm>>)
    %rem3A = arith.constant 31 : i32
    %rem3A_38 = arith.constant 2 : i32
    %rem3A_39 = arith.remsi %rem3A, %rem3A_38 : i32
    %add3A_40 = arith.constant 31 : i32
    %add3A_41 = arith.addi %mul3A_2, %add3A_40 : i32
    %dma_wait3A_42 = arith.constant 0 : i32
    %dma_wait3A_43 = arith.constant 0 : i32
    %dma_wait3A_44 = tpu.memref_slice %arg9[%rem3A_39, %dma_wait3A_42, %dma_wait3A_43] : memref<2x20x1664xf32, #tpu.memory_space<vmem>> -> memref<1x20x1664xf32, #tpu.memory_space<vmem>>
    %dma_wait3A_45 = tpu.memref_squeeze %dma_wait3A_44 : memref<1x20x1664xf32, #tpu.memory_space<vmem>> -> memref<20x1664xf32, #tpu.memory_space<vmem>>
    %dma_wait3A_46 = arith.constant 0 : i32
    %dma_wait3A_47 = arith.constant 0 : i32
    %dma_wait3A_48 = tpu.memref_slice %arg6[%add3A_41, %dma_wait3A_46, %dma_wait3A_47] : memref<1024x20x1664xf32, #tpu.memory_space<hbm>> -> memref<1x20x1664xf32, #tpu.memory_space<hbm>>
    %dma_wait3A_49 = tpu.memref_squeeze %dma_wait3A_48 : memref<1x20x1664xf32, #tpu.memory_space<hbm>> -> memref<20x1664xf32, #tpu.memory_space<hbm>>
    %dma_wait3A_50 = tpu.memref_slice %arg14[%rem3A_39] : memref<2x!tpu.dma_semaphore, #tpu.memory_space<semaphore_mem>> -> memref<1x!tpu.dma_semaphore, #tpu.memory_space<semaphore_mem>>
    %dma_wait3A_51 = tpu.memref_squeeze %dma_wait3A_50 : memref<1x!tpu.dma_semaphore, #tpu.memory_space<semaphore_mem>> -> memref<!tpu.dma_semaphore, #tpu.memory_space<semaphore_mem>>
    %dma_wait3A_52 = arith.constant 0 : i32
    %dma_wait3A_53 = arith.constant 0 : i32
    %dma_wait3A_54 = tpu.memref_slice %arg6[%add3A_41, %dma_wait3A_52, %dma_wait3A_53] : memref<1024x20x1664xf32, #tpu.memory_space<hbm>> -> memref<1x20x1664xf32, #tpu.memory_space<hbm>>
    %dma_wait3A_55 = tpu.memref_squeeze %dma_wait3A_54 : memref<1x20x1664xf32, #tpu.memory_space<hbm>> -> memref<20x1664xf32, #tpu.memory_space<hbm>>
    %dma_wait3A_56 = arith.constant 0 : i32
    %dma_wait3A_57 = arith.constant 0 : i32
    %dma_wait3A_58 = tpu.memref_slice %arg9[%rem3A_39, %dma_wait3A_56, %dma_wait3A_57] : memref<2x20x1664xf32, #tpu.memory_space<vmem>> -> memref<1x20x1664xf32, #tpu.memory_space<vmem>>
    %dma_wait3A_59 = tpu.memref_squeeze %dma_wait3A_58 : memref<1x20x1664xf32, #tpu.memory_space<vmem>> -> memref<20x1664xf32, #tpu.memory_space<vmem>>
    tpu.wait_dma2 semaphore(%dma_wait3A_51 : memref<!tpu.dma_semaphore, #tpu.memory_space<semaphore_mem>>) src(%dma_wait3A_59 : memref<20x1664xf32, #tpu.memory_space<vmem>>) dst(%dma_wait3A_55 : memref<20x1664xf32, #tpu.memory_space<hbm>>)
    return
  }
}

module attributes {stable_mosaic.version = 14 : i64} {
  func.func @_gates_body(%arg0: memref<1x64xf32, #tpu.memory_space<vmem>>, %arg1: memref<1x64xf32, #tpu.memory_space<vmem>>, %arg2: memref<64x64xf32, #tpu.memory_space<vmem>>, %arg3: memref<1x64xf32, #tpu.memory_space<vmem>>, %arg4: memref<64x1664xf32, #tpu.memory_space<vmem>>, %arg5: memref<1x1664xf32, #tpu.memory_space<vmem>>, %arg6: memref<64x64xf32, #tpu.memory_space<vmem>>, %arg7: memref<1x64xf32, #tpu.memory_space<vmem>>, %arg8: memref<64x1664xf32, #tpu.memory_space<vmem>>, %arg9: memref<1x1664xf32, #tpu.memory_space<vmem>>, %arg10: memref<1x1664xf32, #tpu.memory_space<vmem>>, %arg11: memref<1x1664xf32, #tpu.memory_space<vmem>>) attributes {dimension_semantics = [], scalar_prefetch = 0 : i64, scratch_operands = 0 : i64, tpu.core_type = #tpu.core_type<tc>} {
    %get3A = arith.constant 0 : index
    %get3A_0 = arith.constant 0 : index
    %get3A_1 = vector.load %arg0[%get3A, %get3A_0] : memref<1x64xf32, #tpu.memory_space<vmem>>, vector<1x64xf32>
    %get3A_2 = arith.constant 0 : index
    %get3A_3 = arith.constant 0 : index
    %get3A_4 = vector.load %arg2[%get3A_2, %get3A_3] : memref<64x64xf32, #tpu.memory_space<vmem>>, vector<64x64xf32>
    %dot_general3A = arith.constant dense<0.000000e+00> : vector<1x64xf32>
    %dot_general3A_5 = tpu.matmul %get3A_1, %get3A_4, %dot_general3A {dimension_numbers = #tpu.dot_dimension_numbers<[1], [0], [0], [1], [0, 0, 1, 1], [], []>, transpose_lhs_hint = false} : vector<1x64xf32>, vector<64x64xf32>, vector<1x64xf32> -> vector<1x64xf32>
    %get3A_6 = arith.constant 0 : index
    %get3A_7 = arith.constant 0 : index
    %get3A_8 = vector.load %arg3[%get3A_6, %get3A_7] : memref<1x64xf32, #tpu.memory_space<vmem>>, vector<1x64xf32>
    %add3A = arith.addf %dot_general3A_5, %get3A_8 : vector<1x64xf32>
    %max3A = arith.constant 0.000000e+00 : f32
    %max3A_9 = vector.broadcast %max3A : f32 to vector<1x64xf32>
    %max3A_10 = arith.maximumf %add3A, %max3A_9 : vector<1x64xf32>
    %get3A_11 = arith.constant 0 : index
    %get3A_12 = arith.constant 0 : index
    %get3A_13 = vector.load %arg4[%get3A_11, %get3A_12] : memref<64x1664xf32, #tpu.memory_space<vmem>>, vector<64x1664xf32>
    %dot_general3A_14 = arith.constant dense<0.000000e+00> : vector<1x1664xf32>
    %dot_general3A_15 = tpu.matmul %max3A_10, %get3A_13, %dot_general3A_14 {dimension_numbers = #tpu.dot_dimension_numbers<[1], [0], [0], [1], [0, 0, 1, 1], [], []>, transpose_lhs_hint = false} : vector<1x64xf32>, vector<64x1664xf32>, vector<1x1664xf32> -> vector<1x1664xf32>
    %get3A_16 = arith.constant 0 : index
    %get3A_17 = arith.constant 0 : index
    %get3A_18 = vector.load %arg5[%get3A_16, %get3A_17] : memref<1x1664xf32, #tpu.memory_space<vmem>>, vector<1x1664xf32>
    %add3A_19 = arith.addf %dot_general3A_15, %get3A_18 : vector<1x1664xf32>
    %logistic3A = arith.negf %add3A_19 : vector<1x1664xf32>
    %logistic3A_20 = math.exp %logistic3A : vector<1x1664xf32>
    %logistic3A_21 = arith.constant 1.000000e+00 : f32
    %logistic3A_22 = vector.broadcast %logistic3A_21 : f32 to vector<1x1664xf32>
    %logistic3A_23 = arith.addf %logistic3A_22, %logistic3A_20 : vector<1x1664xf32>
    %logistic3A_24 = arith.divf %logistic3A_22, %logistic3A_23 : vector<1x1664xf32>
    %mul3A = arith.constant 2.000000e+00 : f32
    %mul3A_25 = vector.broadcast %mul3A : f32 to vector<1x1664xf32>
    %mul3A_26 = arith.mulf %logistic3A_24, %mul3A_25 : vector<1x1664xf32>
    %swap3A = arith.constant 0 : index
    %swap3A_27 = arith.constant 0 : index
    %swap3A_28 = vector.load %arg10[%swap3A, %swap3A_27] : memref<1x1664xf32, #tpu.memory_space<vmem>>, vector<1x1664xf32>
    tpu.vector_store %arg10[%swap3A, %swap3A_27], %mul3A_26 {strides = array<i32>} : memref<1x1664xf32, #tpu.memory_space<vmem>>, vector<1x1664xf32>,
    %get3A_29 = arith.constant 0 : index
    %get3A_30 = arith.constant 0 : index
    %get3A_31 = vector.load %arg1[%get3A_29, %get3A_30] : memref<1x64xf32, #tpu.memory_space<vmem>>, vector<1x64xf32>
    %get3A_32 = arith.constant 0 : index
    %get3A_33 = arith.constant 0 : index
    %get3A_34 = vector.load %arg6[%get3A_32, %get3A_33] : memref<64x64xf32, #tpu.memory_space<vmem>>, vector<64x64xf32>
    %dot_general3A_35 = arith.constant dense<0.000000e+00> : vector<1x64xf32>
    %dot_general3A_36 = tpu.matmul %get3A_31, %get3A_34, %dot_general3A_35 {dimension_numbers = #tpu.dot_dimension_numbers<[1], [0], [0], [1], [0, 0, 1, 1], [], []>, transpose_lhs_hint = false} : vector<1x64xf32>, vector<64x64xf32>, vector<1x64xf32> -> vector<1x64xf32>
    %get3A_37 = arith.constant 0 : index
    %get3A_38 = arith.constant 0 : index
    %get3A_39 = vector.load %arg7[%get3A_37, %get3A_38] : memref<1x64xf32, #tpu.memory_space<vmem>>, vector<1x64xf32>
    %add3A_40 = arith.addf %dot_general3A_36, %get3A_39 : vector<1x64xf32>
    %max3A_41 = arith.constant 0.000000e+00 : f32
    %max3A_42 = vector.broadcast %max3A_41 : f32 to vector<1x64xf32>
    %max3A_43 = arith.maximumf %add3A_40, %max3A_42 : vector<1x64xf32>
    %get3A_44 = arith.constant 0 : index
    %get3A_45 = arith.constant 0 : index
    %get3A_46 = vector.load %arg8[%get3A_44, %get3A_45] : memref<64x1664xf32, #tpu.memory_space<vmem>>, vector<64x1664xf32>
    %dot_general3A_47 = arith.constant dense<0.000000e+00> : vector<1x1664xf32>
    %dot_general3A_48 = tpu.matmul %max3A_43, %get3A_46, %dot_general3A_47 {dimension_numbers = #tpu.dot_dimension_numbers<[1], [0], [0], [1], [0, 0, 1, 1], [], []>, transpose_lhs_hint = false} : vector<1x64xf32>, vector<64x1664xf32>, vector<1x1664xf32> -> vector<1x1664xf32>
    %get3A_49 = arith.constant 0 : index
    %get3A_50 = arith.constant 0 : index
    %get3A_51 = vector.load %arg9[%get3A_49, %get3A_50] : memref<1x1664xf32, #tpu.memory_space<vmem>>, vector<1x1664xf32>
    %add3A_52 = arith.addf %dot_general3A_48, %get3A_51 : vector<1x1664xf32>
    %logistic3A_53 = arith.negf %add3A_52 : vector<1x1664xf32>
    %logistic3A_54 = math.exp %logistic3A_53 : vector<1x1664xf32>
    %logistic3A_55 = arith.constant 1.000000e+00 : f32
    %logistic3A_56 = vector.broadcast %logistic3A_55 : f32 to vector<1x1664xf32>
    %logistic3A_57 = arith.addf %logistic3A_56, %logistic3A_54 : vector<1x1664xf32>
    %logistic3A_58 = arith.divf %logistic3A_56, %logistic3A_57 : vector<1x1664xf32>
    %mul3A_59 = arith.constant 2.000000e+00 : f32
    %mul3A_60 = vector.broadcast %mul3A_59 : f32 to vector<1x1664xf32>
    %mul3A_61 = arith.mulf %logistic3A_58, %mul3A_60 : vector<1x1664xf32>
    %swap3A_62 = arith.constant 0 : index
    %swap3A_63 = arith.constant 0 : index
    %swap3A_64 = vector.load %arg11[%swap3A_62, %swap3A_63] : memref<1x1664xf32, #tpu.memory_space<vmem>>, vector<1x1664xf32>
    tpu.vector_store %arg11[%swap3A_62, %swap3A_63], %mul3A_61 {strides = array<i32>} : memref<1x1664xf32, #tpu.memory_space<vmem>>, vector<1x1664xf32>,
    return
  }
}

</mosaic_0001>

<sc_bundles>
// kernel: kernel.4.cloned.1.call-start
scs
__scs_entry_jumppad:
0x0: {  	(pc) =	sbr.rel $0x88, $3  }
0x1: {  	(tag) =	ssettag $0x0;
	lr =	simm.s32 $0x1  }
0x2: {  	[smem:$0x3F96] =	sst lr;
	_ =	strace $0xD0000000  }
0x3: {  	_ = 	snop  }
0x4: {  	_ = 	snop  }
0x5: {  	_ = 	snop  }
0x6: {  	_ = 	snop  }
0x7: {  	_ = 	snop  }
__scs_overlays_trampoline_lowered:
0x8: {  	[smem:$0x3FA5] =	sst s0  }
0x9: {  	[smem:$0x3FA6] =	sst s1  }
0xa: {  	[smem:$0x3FA7] =	sst s2  }
0xb: {  	[smem:$0x3FA8] =	sst s3  }
0xc: {  	[smem:$0x3FA9] =	sst s4  }
0xd: {  	[smem:$0x3FAA] =	sst s5  }
0xe: {  	[smem:$0x3FAB] =	sst s6  }
0xf: {  	[smem:$0x3FAC] =	sst s7  }
0x10: {  	[smem:$0x3FAD] =	sst s8  }
0x11: {  	[smem:$0x3FAE] =	sst s9;
	s0 =	simm.s32 @!p0 $0x0  }
0x12: {  	s1 =	sld [smem:$0x3F94];
	s0 =	simm.s32 @p0 $0x1  }
0x13: {  	[smem:$0x3FAF] =	sst s0;
	s0 =	simm.s32 @!p1 $0x0  }
0x14: {  	s2 =	sld [smem:$0x3F93];
	s0 =	simm.s32 @p1 $0x1  }
0x15: {  	[smem:$0x3FB0] =	sst s0;
	s0 =	simm.s32 @!p2 $0x0  }
0x16: {  	s3 =	sld [smem:$0x3FDB];
	s0 =	simm.s32 @p2 $0x1  }
0x17: {  	s4 =	simm.s32 $0x1BF5;
	[smem:$0x3FB2] =	sst s0  }
0x18: {  	s0 =	sld [smem:$0x3F95];
	_ =	swait.ge [sflag:s4], $0x0  }
0x19: {  	s7 =	sld [smem:$0x3F96]  }
0x1a: {  	s8 =	sadd.s32 $0xFFFFE003, lr  }
0x1b: {  	s9 =	sadd.s32 $0xFFFFFEF7, lr;
	s5 =	simm.s32 $0xFFFFFFFF;
	p2 =	slt.u32 s8, $0xFFFFF086  }
0x1c: {  	p1 =	slt.u32 s9, $0xF7A;
	s5 =	simm.s32 @!p2 $0x0  }
0x1d: {  	s5 =	simm.s32 @p1 $0x1;
	p0 =	seq.s32 s7, s2  }
0x1e: {  	s7 =	smul.u32 @!p0 $0xF7A, s2;
	p2 =	seq.s32 @!p0 s5, $0x0  }
0x1f: {  	s9 =	smul.u32 $0xF7A, s1;
	s8 =	simm.s32 @!p0 $0x1BF5;
	p2 =	por !p2, p0  }
0x20: {  	[sflag:s8] =	ssyncset.s32 @!p0 $0xFFFFF086;
	s6 =	sadd.s32 @!p0 s3, s7;
	s7 =	simm.s32 @!p0 $0x108  }
0x21: {  	s3 =	sadd.s32 s3, s9;
	s6 =	sadd.s32 @!p0 $0x88, s6;
	s7 =	simm.s32 @p2 $0x1082  }
0x22: {  	[simem:s7], [sflag:s8] =	dma.local @!p0 [hbm:s6], $0xF7A  }
0x23: {  	s9 =	sor.u32 $0xD0000000, s2;
	s6 =	simm.s32 $0x108;
	_ =	swait.ge @!p0 [sflag:s8], $0x0  }
0x24: {  	s3 =	sadd.s32 $0x88, s3;
	s6 =	simm.s32 @!p1 $0x1082;
	[sflag:s4] =	ssyncset.s32 $0xFFFFF086  }
0x25: {  	[simem:s6], [sflag:s4] =	dma.local [hbm:s3], $0xF7A  }
0x26: {  	[smem:$0x3F96] =	sst s1;
	(tag) =	ssettag s2;
	_ =	strace s9  }
0x27: {  	s1 =	sld [smem:$0x3FA6]  }
0x28: {  	s2 =	sld [smem:$0x3FA7]  }
0x29: {  	s4 =	sld [smem:$0x3FA9]  }
0x2a: {  	p0 =	seq.s32 s5, $0x0;
	s5 =	sld [smem:$0x3FAA]  }
0x2b: {  	s6 =	sld [smem:$0x3FAB]  }
0x2c: {  	s7 =	sld [smem:$0x3FAC]  }
0x2d: {  	s3 =	simm.s32 $0x108;
	s8 =	sld [smem:$0x3FAD]  }
0x2e: {  	s3 =	simm.s32 @!p0 $0x1082;
	s9 =	sld [smem:$0x3FAE]  }
0x2f: {  	lr =	sadd.s32 s0, s3;
	s0 =	sld [smem:$0x3FA5]  }
0x30: {  	s3 =	sld [smem:$0x3FA8]  }
0x31: {  	[smem:$0x3FB1] =	sst s10  }
0x32: {  	s10 =	sld [smem:$0x3FAF];
	_ =	sdelay $0x3  }
0x33: {  	p0 =	seq.s32 s10, $0x1;
	s10 =	sld [smem:$0x3FB1];
	_ =	sdelay $0x3  }
0x34: {  	[smem:$0x3FB1] =	sst s10  }
0x35: {  	s10 =	sld [smem:$0x3FB0];
	_ =	sdelay $0x3  }
0x36: {  	p1 =	seq.s32 s10, $0x1;
	s10 =	sld [smem:$0x3FB1];
	_ =	sdelay $0x3  }
0x37: {  	[smem:$0x3FB1] =	sst s10  }
0x38: {  	s10 =	sld [smem:$0x3FB2]  }
0x39: {  	_ = 	snop;
	(pc) =	sbr.ind lr, $3  }
0x3a: {  	_ = 	snop  }
0x3b: {  	_ = 	snop  }
0x3c: {  	p2 =	seq.s32 s10, $0x1;
	s10 =	sld [smem:$0x3FB1]  }
0x3d: {  	_ =	shalt  }
0x3e: {  	_ =	shalt  }
0x3f: {  	_ =	shalt  }
0x40: {  	_ =	shalt  }
0x41: {  	_ =	shalt  }
0x42: {  	_ =	shalt  }
0x43: {  	_ =	shalt  }
0x44: {  	_ =	shalt  }
0x45: {  	_ =	shalt  }
0x46: {  	_ =	shalt  }
0x47: {  	_ =	shalt  }
0x48: {  	_ =	shalt  }
0x49: {  	_ =	shalt  }
0x4a: {  	_ =	shalt  }
0x4b: {  	_ =	shalt  }
0x4c: {  	_ =	shalt  }
0x4d: {  	_ =	shalt  }
0x4e: {  	_ =	shalt  }
0x4f: {  	_ =	shalt  }
0x50: {  	_ =	shalt  }
0x51: {  	_ =	shalt  }
0x52: {  	_ =	shalt  }
0x53: {  	_ =	shalt  }
0x54: {  	_ =	shalt  }
0x55: {  	_ =	shalt  }
0x56: {  	_ =	shalt  }
0x57: {  	_ =	shalt  }
0x58: {  	_ =	shalt  }
0x59: {  	_ =	shalt  }
0x5a: {  	_ =	shalt  }
0x5b: {  	_ =	shalt  }
0x5c: {  	_ =	shalt  }
0x5d: {  	_ =	shalt  }
0x5e: {  	_ =	shalt  }
0x5f: {  	_ =	shalt  }
0x60: {  	_ =	shalt  }
0x61: {  	_ =	shalt  }
0x62: {  	_ =	shalt  }
0x63: {  	_ =	shalt  }
0x64: {  	_ =	shalt  }
0x65: {  	_ =	shalt  }
0x66: {  	_ =	shalt  }
0x67: {  	_ =	shalt  }
0x68: {  	_ =	shalt  }
0x69: {  	_ =	shalt  }
0x6a: {  	_ =	shalt  }
0x6b: {  	_ =	shalt  }
0x6c: {  	_ =	shalt  }
0x6d: {  	_ =	shalt  }
0x6e: {  	_ =	shalt  }
0x6f: {  	_ =	shalt  }
0x70: {  	_ =	shalt  }
0x71: {  	_ =	shalt  }
0x72: {  	_ =	shalt  }
0x73: {  	_ =	shalt  }
0x74: {  	_ =	shalt  }
0x75: {  	_ =	shalt  }
0x76: {  	_ =	shalt  }
0x77: {  	_ =	shalt  }
0x78: {  	_ =	shalt  }
0x79: {  	_ =	shalt  }
0x7a: {  	_ =	shalt  }
0x7b: {  	_ =	shalt  }
0x7c: {  	_ =	shalt  }
0x7d: {  	_ =	shalt  }
0x7e: {  	_ =	shalt  }
0x7f: {  	_ =	shalt  }
0x80: {  	_ =	shalt  }
0x81: {  	_ =	shalt  }
0x82: {  	_ =	shalt  }
0x83: {  	_ =	shalt  }
0x84: {  	_ =	shalt  }
0x85: {  	_ =	shalt  }
0x86: {  	_ =	shalt  }
0x87: {  	_ =	shalt  }
.Lfunc_end0:
.L_simem_size_0:
called_computation_lowered:
.L_overlay_start_0:
0x88: {  	s2 =	sld [smem:$0x3FD9]  }
0x89: {  	s3 =	sld [smem:$0x3FFE];
	_ =	sdelay $0x1  }
0x8a: {  	s1 =	srdreg.scid  }
0x8b: {  	s0 =	sand.u32 $0x1, s1  }
0x8c: {  	s14 =	sshll.u32 s0, $0xA;
	s2 =	sadd.s32 s3, s2  }
0x8d: {  	s2 =	sadd.s32 s2, s14  }
0x8e: {  	[smem:$0x3FBD] =	sst s2  }
0x8f: {  	_ = 	snop  }
0x90: {  	s2 =	sld [smem:$0x3FD0];
	_ =	sdelay $0x2  }
0x91: {  	s15 =	simm.s32 $0xA;
	s4 =	simm.s32 $0x10  }
0x92: {  	[smem:s4], [sflag:s15] =	dma.local [hbm:s2], $0x1  }
0x93: {  	_ =	swait.eq [sflag:s15], $0x1  }
0x94: {  	[sflag:s15] =	ssyncset.done $0x0  }
0x95: {  	s16 =	sld [smem:$0x10];
	[sflag:s15] =	ssyncadd.s32 $0xFFFFFFFF  }
0x96: {  	s17 =	sld [smem:$0x11];
	(tm) =	ssettm $0x1  }
0x97: {  	s18 =	sld [smem:$0x3FFB];
	_ =	sdelay $0x3  }
0x98: {  	_ =	strace s18  }
0x99: {  	s4 =	sld [smem:$0x3FFC];
	_ =	sdelay $0x3  }
0x9a: {  	_ =	strace s4  }
0x9b: {  	s4 =	sld [smem:$0x3FFD];
	_ =	sdelay $0x3  }
0x9c: {  	_ =	strace s4  }
0x9d: {  	_ =	strace $0x8FFFFFFF  }
0x9e: {  	s19 =	sld [smem:$0x3FDB];
	_ =	sdelay $0x1  }
0x9f: {  	s5 =	simm.s32 $_scs_section_size  }
0xa0: {  	s6 =	simm.s32 $_size__tile_overlayer_lowered;
	s7 =	simm.s32 $_tile_overlayer_lowered  }
0xa1: {  	s22 =	simm.s32 $0x1BFF;
	s21 =	sshll.u32 s7, $0x1;
	s4 =	sadd.s32 s5, s19  }
0xa2: {  	s8 =	simm.s32 $0x0;
	s20 =	sshll.u32 s6, $0x1;
	s6 =	sadd.s32 s21, s4  }
0xa3: {  	[timem:s8], [sflag:s22] =	dma.local [hbm:s6], s20  }
0xa4: {  	_ =	swait.ge [sflag:s22], s20  }
0xa5: {  	s5 =	ssub.s32 $0x0, s20;
	[sflag:s22] =	ssyncset.done $0x0  }
0xa6: {  	[sflag:s22] =	ssyncadd.s32 s5;
	_ =	sdelay $0x1  }
0xa7: {  	s23 =	simm.s32 $0x1B8B  }
0xa8: {  	_ =	swait.ge [sflag:s23], $0x1  }
0xa9: {  	[sflag:s23] =	ssyncset.done $0x0  }
0xaa: {  	s25 =	simm.s32 $0x1B8E;
	s24 =	sld [smem:$0x3FFE];
	[sflag:s23] =	ssyncadd.s32 $0xFFFFFFFF  }
0xab: {  	s26 =	simm.s32 $execute0_lowered;
	[smem:$0x3FD2] =	sst s25  }
0xac: {  	s6 =	sshll.u32 s26, $0x1;
	_ =	strace $0x80000046;
	[dreg:$0x1] =	wrdreg $0xFFFFFFFF  }
0xad: {  	s28 =	simm.s32 $_size_execute0_lowered;
	s4 =	sadd.s32 s4, s6;
	[dreg:$0x0] =	wrdreg $0x0  }
0xae: {  	s6 =	sshll.u32 s28, $0x1;
	[dreg:$0x2] =	wrdreg s4  }
0xaf: {  	[dreg:$0x3] =	wrdreg s6  }
0xb0: {  	[dreg:$0x4] =	wrdreg $0xC0  }
0xb1: {  	_ =	task [dreg:s8], $0x5FFFF  }
0xb2: {  	[dreg:$0x1] =	wrdreg $0xFFFFFFFF  }
0xb3: {  	[dreg:$0x0] =	wrdreg $0x60  }
0xb4: {  	[dreg:$0x2] =	wrdreg s24  }
0xb5: {  	[dreg:$0x3] =	wrdreg s17  }
0xb6: {  	[dreg:$0x4] =	wrdreg s16  }
0xb7: {  	[dreg:$0x5] =	wrdreg $0x9  }
0xb8: {  	_ =	task.clear_ibuf [dreg:s8], $0x6FFFF;
	_ =	strace $0x90000046  }
0xb9: {  	s29 =	simm.s32 $0x9;
	_ =	strace $0x80000048  }
0xba: {  	_ =	swait.ge [sflag:s29], $0x1  }
0xbb: {  	[sflag:s29] =	ssyncadd.s32 $0xFFFFFFFF  }
0xbc: {  	_ =	strace $0x90000048  }
0xbd: {  	_ =	sfence  }
0xbe: {  	s30 =	sld [smem:$0x0];
	_ =	sdelay $0x2  }
0xbf: {  	s31 =	sshll.u32 s1, $0xD;
	s1 =	sshrl.u32 s1, $0x2  }
0xc0: {  	s3 =	sand.u32 $0x4000, s31;
	s1 =	sadd.s32 s1, s30  }
0xc1: {  	s0 =	sor.u32 s3, s0;
	s1 =	sshll.u32 s1, $0x11  }
0xc2: {  	s0 =	sor.u32 s1, s0  }
0xc3: {  	s0 =	sadd.s32 $0x8F2B, s0  }
0xc4: {  	[sflag:s0] =	ssyncadd.remote.s32 $0x1  }
0xc5: {  	_ =	sfence.sel $0xFFFF  }
0xc6: {  	[dreg:$0x0] =	wrdreg $0xFFFFFFFF;
	(pc) =	sbr.abs _section_cstart, $3  }
0xc7: {  	[dreg:$0x1] =	wrdreg $0xFFFFFFFF  }
0xc8: {  	_ =	task.clear_ibuf [dreg:s8], $0x2FFFF;
	_ =	strace $0x9FFFFFFF  }
0xc9: {  	(tm) =	ssettm $0x7FFFFFFF  }
tec
execute0_lowered:
.L_overlay_start_1:
0x0: {  	(tag) =	ssettag $0x1  }
0x1: {  	s0 =	rddreg [dreg:$0x0]  }
0x2: {  	s1 =	srdreg.scid;
	s4 =	simm.s32 $0x0;
	s2 =	stileid.u32  }
0x3: {  	s11 =	simm.s32 $0x1;
	s14 =	simm.s32 $0x14500;
	s1 =	sand.u32 $0x1, s1  }
0x4: {  	s2 =	sshll.u32 s2, $0x6;
	s3 =	sshll.u32 s1, $0x5;
	s1 =	ssub.s32 $0x2, s1  }
0x5: {  	[smem:$0x7FF] =	sst s4;
	s5 =	sor.u32 s3, s2;
	s29 =	sshrl.u32 s1, $0x1  }
0x6: {  	s6 =	sadd.s32 $0x1000, s0;
	s3 =	smul.u32 $0x1380, s5;
	s30 =	ssub.s32 s1, s29  }
0x7: {  	s7 =	sadd.s32 $0x4E1000, s0;
	s8 =	sadd.s32 $0x9C1000, s0;
	s0 =	smax.u32 s30, $0x1  }
0x8: {  	_ =	strace $0x80000047;
	s31 =	sadd.s32 s6, s3;
	[dreg:$0x5] =	wrdreg s0  }
0x9: {  	s16 =	simm.s32 $0x6;
	s17 =	simm.s32 $0x0;
	[dreg:$0x4] =	wrdreg s31  }
.LBB2_1:
0xa: {  	s0 =	rddreg [dreg:$0x1]  }
0xb: {  	[tilespmem:s4], [sflag:$0x1] =	stream.linear.gather [hbm4b:s0+s4], $0x680, $0x38;
	[tilespmem:$0x1E100] =	vst v63  }
0xc: {  	_ =	swait.ge [sflag:s11], $0x680  }
0xd: {  	[sflag:s11] =	ssyncset.done $0x0  }
0xe: {  	[sflag:s11] =	ssyncadd.s32 $0xFFFFF980  }
0xf: {  	s1 =	simm.s32 $0x680;
	s28 =	rddreg [dreg:$0x2]  }
0x10: {  	[tilespmem:s1], [sflag:$0x1] =	stream.linear.gather [hbm4b:s28+s4], $0x680, $0x38;
	[tilespmem:$0x1E100] =	vst v63  }
0x11: {  	_ =	swait.ge [sflag:s11], $0x680  }
0x12: {  	s31 =	simm.s32 $0xD00;
	[sflag:s11] =	ssyncset.done $0x0  }
0x13: {  	s30 =	simm.s32 $0x0;
	s29 =	rddreg [dreg:$0x4];
	[sflag:s11] =	ssyncadd.s32 $0xFFFFF980  }
0x14: {  	[tilespmem:s31], [sflag:$0x2] =	stream.linear.gather [hbm4b:s29+s4], $0x9C00, $0x38;
	[tilespmem:$0x1E100] =	vst v63  }
.LBB2_2:
0x15: {  	p0 =	seq.s32 s30, $0x0  }
0x16: {  	p1 =	seq.s32 @!p0 s30, $0x1F  }
0x17: {  	s18 =	sand.u32 $0x1, s30;
	p1 =	por p0, !p1  }
.Ltmp0:
0x18: {  	s0 =	sxor.u32 @!p0 $0x1, s18;
	(pc) =	sbr.rel @!p1 .LBB2_4-.Ltmp0, $4  }
0x19: {  	s1 =	sadd.s32 @!p0 $0x5, s0  }
0x1a: {  	_ =	swait.ge @!p0 [sflag:s1], $0x9C00  }
0x1b: {  	[sflag:s1] =	ssyncset.done @!p0 $0x0  }
0x1c: {  	s19 =	simm.s32 @!p0 $0x20;
	[sflag:s1] =	ssyncadd.s32 @!p0 $0xFFFF6400  }
0x1d: {  	s19 =	sadd.s32 @!p0 $0x1, s30  }
0x1e: {  	s0 =	simm.s32 @p0 $0x1;
	s19 =	simm.s32 @p0 $0x1  }
0x1f: {  	s2 =	smul.u32 $0x27000, s0;
	s1 =	sadd.s32 s5, s19  }
0x20: {  	s1 =	smul.u32 $0x1380, s1  }
0x21: {  	s2 =	sshrl.u32 s2, $0x2  }
0x22: {  	s0 =	sor.u32 $0x2, s0;
	s2 =	sadd.s32 $0xD00, s2;
	s1 =	sadd.s32 s6, s1  }
0x23: {  	[tilespmem:s2], [sflag:s0] =	stream.linear.gather [hbm4b:s1+s4], $0x9C00, $0x38;
	[tilespmem:$0x1E100] =	vst v63  }
.LBB2_4:
0x24: {  	s0 =	smul.u32 $0x27000, s18  }
0x25: {  	s1 =	sor.u32 $0x2, s18  }
0x26: {  	_ =	swait.ge [sflag:s1], $0x9C00;
	s0 =	sshrl.u32 s0, $0x2  }
0x27: {  	[sflag:s1] =	ssyncset.done $0x0;
	s20 =	sadd.s32 $0xD00, s0  }
0x28: {  	[sflag:s1] =	ssyncadd.s32 $0xFFFF6400;
	s0 =	simm.s32 @!p0 $0x4;
	v0 =	vmov s20  }
0x29: {  	_ =	swait.ge @!p0 [sflag:s0], $0x9C00  }
0x2a: {  	s13 =	simm.s32 $0x0;
	[sflag:s0] =	ssyncset.done @!p0 $0x0  }
0x2b: {  	s15 =	sand.u32 $0x70, s13;
	s2 =	sand.u32 $0x3C00, s13;
	[sflag:s0] =	ssyncadd.s32 @!p0 $0xFFFF6400  }
0x2c: {  	s24 =	sor.u32 s15, s2;
	v4 =	vld [tilespmem:s13+$0x0]  }
0x2d: {  	v1 =	vld.idx.msk [tilespmem:v0+s24+$0x0 ss:$0x1], $0xffff;
	_ =	sdelay $0x4  }
0x2e: {  	v1 =	vmul.f32 v1, v4;
	_ =	sdelay $0x1  }
0x2f: {  	[tilespmem:s24+$0x14500] =	vst v1  }
0x30: {  	v1 =	vld.idx.msk [tilespmem:v0+s24+$0x80 ss:$0x1], $0xffff;
	_ =	sdelay $0x4  }
0x31: {  	v1 =	vmul.f32 v1, v4;
	_ =	sdelay $0x1  }
0x32: {  	s21 =	simm.s32 $0x10;
	s22 =	simm.s32 $0x80;
	[tilespmem:s24+$0x14580] =	vst v1  }
0x33: {  	s3 =	sand.u32 $0x70, s21;
	s2 =	sand.u32 $0x3C00, s22;
	v2 =	vld.idx.msk [tilespmem:v0+s24+$0x100 ss:$0x1], $0xffff  }
0x34: {  	v1 =	vld [tilespmem:s21+$0x0];
	s21 =	sor.u32 s3, s2  }
0x35: {  	v3 =	vld.idx.msk [tilespmem:v0+s21+$0x0 ss:$0x1], $0xffff;
	_ =	sdelay $0x2  }
0x36: {  	v2 =	vmul.f32 v2, v4;
	_ =	sdelay $0x1  }
0x37: {  	[tilespmem:s24+$0x14600] =	vst v2;
	v2 =	vmul.f32 v3, v1  }
0x38: {  	v3 =	vld.idx.msk [tilespmem:v0+s24+$0x180 ss:$0x1], $0xffff  }
0x39: {  	[tilespmem:s21+$0x14500] =	vst v2  }
0x3a: {  	v2 =	vld.idx.msk [tilespmem:v0+s21+$0x80 ss:$0x1], $0xffff;
	_ =	sdelay $0x2  }
0x3b: {  	v3 =	vmul.f32 v3, v4;
	_ =	sdelay $0x1  }
0x3c: {  	[tilespmem:s24+$0x14680] =	vst v3;
	v2 =	vmul.f32 v2, v1  }
0x3d: {  	s23 =	simm.s32 $0x20;
	s25 =	simm.s32 $0x100;
	v3 =	vld.idx.msk [tilespmem:v0+s24+$0x200 ss:$0x1], $0xffff  }
0x3e: {  	s26 =	sand.u32 $0x70, s23;
	s2 =	sand.u32 $0x3C00, s25;
	[tilespmem:s21+$0x14580] =	vst v2  }
0x3f: {  	s22 =	sor.u32 s26, s2;
	v5 =	vld.idx.msk [tilespmem:v0+s21+$0x100 ss:$0x1], $0xffff  }
0x40: {  	v6 =	vld.idx.msk [tilespmem:v0+s22+$0x0 ss:$0x1], $0xffff  }
0x41: {  	v2 =	vld [tilespmem:s23+$0x0]  }
0x42: {  	v3 =	vmul.f32 v3, v4;
	_ =	sdelay $0x1  }
0x43: {  	[tilespmem:s24+$0x14700] =	vst v3;
	v3 =	vmul.f32 v5, v1  }
0x44: {  	v5 =	vld.idx.msk [tilespmem:v0+s24+$0x280 ss:$0x1], $0xffff  }
0x45: {  	[tilespmem:s21+$0x14600] =	vst v3;
	v3 =	vmul.f32 v6, v2  }
0x46: {  	v6 =	vld.idx.msk [tilespmem:v0+s21+$0x180 ss:$0x1], $0xffff  }
0x47: {  	[tilespmem:s22+$0x14500] =	vst v3  }
0x48: {  	v3 =	vld.idx.msk [tilespmem:v0+s22+$0x80 ss:$0x1], $0xffff  }
0x49: {  	v5 =	vmul.f32 v5, v4;
	_ =	sdelay $0x1  }
0x4a: {  	[tilespmem:s24+$0x14780] =	vst v5;
	v5 =	vmul.f32 v6, v1  }
0x4b: {  	v6 =	vld.idx.msk [tilespmem:v0+s24+$0x300 ss:$0x1], $0xffff  }
0x4c: {  	[tilespmem:s21+$0x14680] =	vst v5;
	v3 =	vmul.f32 v3, v2  }
0x4d: {  	s9 =	simm.s32 $0x180;
	s3 =	simm.s32 $0x30;
	v5 =	vld.idx.msk [tilespmem:v0+s21+$0x200 ss:$0x1], $0xffff  }
0x4e: {  	s10 =	sand.u32 $0x70, s3;
	s2 =	sand.u32 $0x3C00, s9;
	[tilespmem:s22+$0x14580] =	vst v3  }
0x4f: {  	s1 =	sand.u32 $0x7, s13;
	s23 =	sor.u32 s10, s2;
	v7 =	vld.idx.msk [tilespmem:v0+s22+$0x100 ss:$0x1], $0xffff  }
0x50: {  	s1 =	sshll.u32 s1, $0x4;
	v8 =	vld.idx.msk [tilespmem:v0+s23+$0x0 ss:$0x1], $0xffff;
	v6 =	vmul.f32 v6, v4  }
0x51: {  	s12 =	sadd.s32 $0x0, s1;
	v3 =	vld [tilespmem:s3+$0x0]  }
0x52: {  	s0 =	sor.u32 $0x380, s12;
	[tilespmem:s24+$0x14800] =	vst v6;
	v5 =	vmul.f32 v5, v1  }
0x53: {  	v6 =	vld.idx.msk [tilespmem:v0+s0+$0x0 ss:$0x1], $0xffff  }
0x54: {  	[tilespmem:s21+$0x14700] =	vst v5;
	v5 =	vmul.f32 v7, v2  }
0x55: {  	v7 =	vld.idx.msk [tilespmem:v0+s21+$0x280 ss:$0x1], $0xffff  }
0x56: {  	[tilespmem:s22+$0x14600] =	vst v5;
	v5 =	vmul.f32 v8, v3  }
0x57: {  	v8 =	vld.idx.msk [tilespmem:v0+s22+$0x180 ss:$0x1], $0xffff  }
0x58: {  	v6 =	vmul.f32 v6, v4;
	[tilespmem:s23+$0x14500] =	vst v5  }
0x59: {  	v5 =	vld.idx.msk [tilespmem:v0+s23+$0x80 ss:$0x1], $0xffff  }
0x5a: {  	[tilespmem:s0+$0x14500] =	vst v6;
	v6 =	vmul.f32 v7, v1  }
0x5b: {  	v7 =	vld.idx.msk [tilespmem:v0+s24+$0x3400 ss:$0x1], $0xffff  }
0x5c: {  	[tilespmem:s21+$0x14780] =	vst v6;
	v6 =	vmul.f32 v8, v2  }
0x5d: {  	v8 =	vld.idx.msk [tilespmem:v0+s21+$0x300 ss:$0x1], $0xffff  }
0x5e: {  	[tilespmem:s22+$0x14680] =	vst v6;
	v5 =	vmul.f32 v5, v3  }
0x5f: {  	s15 =	simm.s32 $0x40;
	s25 =	simm.s32 $0x200;
	v6 =	vld.idx.msk [tilespmem:v0+s22+$0x200 ss:$0x1], $0xffff  }
0x60: {  	s13 =	simm.s32 $0x1;
	s26 =	sand.u32 $0x70, s15;
	s2 =	sand.u32 $0x3C00, s25;
	v7 =	vmul.f32 v7, v4;
	[tilespmem:s23+$0x14580] =	vst v5  }
0x61: {  	s25 =	sor.u32 s26, s2;
	s0 =	sand.u32 $0x7, s13;
	v9 =	vld.idx.msk [tilespmem:v0+s23+$0x100 ss:$0x1], $0xffff  }
0x62: {  	v10 =	vld.idx.msk [tilespmem:v0+s25+$0x0 ss:$0x1], $0xffff;
	s0 =	sshll.u32 s0, $0x4;
	[tilespmem:s24+$0x17900] =	vst v7;
	v7 =	vmul.f32 v8, v1  }
0x63: {  	s0 =	sadd.s32 $0x80, s0;
	v8 =	vld.idx.msk [tilespmem:v0+s24+$0x3480 ss:$0x1], $0xffff  }
0x64: {  	s0 =	sor.u32 $0x380, s0;
	v5 =	vld [tilespmem:s15+$0x0];
	v6 =	vmul.f32 v6, v2;
	[tilespmem:s21+$0x14800] =	vst v7  }
0x65: {  	v7 =	vld.idx.msk [tilespmem:v0+s0+$0x0 ss:$0x1], $0xffff  }
0x66: {  	[tilespmem:s22+$0x14700] =	vst v6;
	v6 =	vmul.f32 v9, v3  }
0x67: {  	v9 =	vld.idx.msk [tilespmem:v0+s22+$0x280 ss:$0x1], $0xffff  }
0x68: {  	v8 =	vmul.f32 v8, v4;
	[tilespmem:s23+$0x14600] =	vst v6  }
0x69: {  	v6 =	vmul.f32 v10, v5;
	v10 =	vld.idx.msk [tilespmem:v0+s23+$0x180 ss:$0x1], $0xffff  }
0x6a: {  	[tilespmem:s24+$0x17980] =	vst v8;
	v7 =	vmul.f32 v7, v1  }
0x6b: {  	[tilespmem:s25+$0x14500] =	vst v6;
	v8 =	vld.idx.msk [tilespmem:v0+s24+$0x3500 ss:$0x1], $0xffff  }
0x6c: {  	v6 =	vld.idx.msk [tilespmem:v0+s25+$0x80 ss:$0x1], $0xffff;
	v9 =	vmul.f32 v9, v2;
	[tilespmem:s0+$0x14500] =	vst v7  }
0x6d: {  	v7 =	vld.idx.msk [tilespmem:v0+s21+$0x3400 ss:$0x1], $0xffff  }
0x6e: {  	[tilespmem:s22+$0x14780] =	vst v9;
	v9 =	vmul.f32 v10, v3  }
0x6f: {  	v10 =	vld.idx.msk [tilespmem:v0+s22+$0x300 ss:$0x1], $0xffff  }
0x70: {  	v8 =	vmul.f32 v8, v4;
	[tilespmem:s23+$0x14680] =	vst v9  }
0x71: {  	s2 =	simm.s32 $0x50;
	v9 =	vmul.f32 v6, v5;
	v11 =	vld.idx.msk [tilespmem:v0+s23+$0x200 ss:$0x1], $0xffff  }
0x72: {  	s3 =	simm.s32 $0x2;
	v6 =	vld [tilespmem:s2+$0x0];
	[tilespmem:s24+$0x17A00] =	vst v8;
	v7 =	vmul.f32 v7, v1  }
0x73: {  	s9 =	simm.s32 $0x280;
	s1 =	sand.u32 $0x7, s3;
	[tilespmem:s25+$0x14580] =	vst v9;
	v8 =	vld.idx.msk [tilespmem:v0+s24+$0x3580 ss:$0x1], $0xffff  }
0x74: {  	s1 =	sshll.u32 s1, $0x4;
	s0 =	sand.u32 $0x70, s2;
	s2 =	sand.u32 $0x3C00, s9;
	v9 =	vld.idx.msk [tilespmem:v0+s25+$0x100 ss:$0x1], $0xffff;
	[tilespmem:s21+$0x17900] =	vst v7;
	v7 =	vmul.f32 v10, v2  }
0x75: {  	s10 =	sadd.s32 $0x100, s1;
	s26 =	sor.u32 s0, s2;
	v10 =	vld.idx.msk [tilespmem:v0+s21+$0x3480 ss:$0x1], $0xffff  }
0x76: {  	s0 =	sor.u32 $0x380, s10;
	v12 =	vld.idx.msk [tilespmem:v0+s26+$0x0 ss:$0x1], $0xffff;
	v11 =	vmul.f32 v11, v3;
	[tilespmem:s22+$0x14800] =	vst v7  }
0x77: {  	v7 =	vld.idx.msk [tilespmem:v0+s0+$0x0 ss:$0x1], $0xffff  }
0x78: {  	v8 =	vmul.f32 v8, v4;
	[tilespmem:s23+$0x14700] =	vst v11  }
0x79: {  	v9 =	vmul.f32 v9, v5;
	v11 =	vld.idx.msk [tilespmem:v0+s23+$0x280 ss:$0x1], $0xffff  }
0x7a: {  	[tilespmem:s24+$0x17A80] =	vst v8;
	v8 =	vmul.f32 v10, v1  }
0x7b: {  	[tilespmem:s25+$0x14600] =	vst v9;
	v9 =	vmul.f32 v12, v6;
	v10 =	vld.idx.msk [tilespmem:v0+s24+$0x3600 ss:$0x1], $0xffff  }
0x7c: {  	v12 =	vld.idx.msk [tilespmem:v0+s25+$0x180 ss:$0x1], $0xffff;
	[tilespmem:s21+$0x17980] =	vst v8;
	v7 =	vmul.f32 v7, v2  }
0x7d: {  	[tilespmem:s26+$0x14500] =	vst v9;
	v8 =	vld.idx.msk [tilespmem:v0+s21+$0x3500 ss:$0x1], $0xffff  }
0x7e: {  	v9 =	vld.idx.msk [tilespmem:v0+s26+$0x80 ss:$0x1], $0xffff;
	v11 =	vmul.f32 v11, v3;
	[tilespmem:s0+$0x14500] =	vst v7  }
0x7f: {  	s12 =	simm.s32 $0x60;
	s0 =	simm.s32 $0x300;
	v13 =	vld.idx.msk [tilespmem:v0+s22+$0x3400 ss:$0x1], $0xffff  }
0x80: {  	s1 =	sand.u32 $0x70, s12;
	s15 =	sand.u32 $0x3C00, s0;
	v7 =	vmul.f32 v10, v4;
	[tilespmem:s23+$0x14780] =	vst v11  }
0x81: {  	v10 =	vmul.f32 v12, v5;
	s28 =	sor.u32 s1, s15;
	v11 =	vld.idx.msk [tilespmem:v0+s23+$0x300 ss:$0x1], $0xffff  }
0x82: {  	v14 =	vld.idx.msk [tilespmem:v0+s28+$0x0 ss:$0x1], $0xffff;
	[tilespmem:s24+$0x17B00] =	vst v7;
	v8 =	vmul.f32 v8, v1  }
0x83: {  	[tilespmem:s25+$0x14680] =	vst v10;
	v9 =	vmul.f32 v9, v6;
	v12 =	vld.idx.msk [tilespmem:v0+s24+$0x3680 ss:$0x1], $0xffff  }
0x84: {  	s13 =	simm.s32 $0x3;
	v10 =	vld.idx.msk [tilespmem:v0+s25+$0x200 ss:$0x1], $0xffff;
	[tilespmem:s21+$0x17A00] =	vst v8;
	v8 =	vmul.f32 v13, v2  }
0x85: {  	s2 =	sand.u32 $0x7, s13;
	[tilespmem:s26+$0x14580] =	vst v9;
	v13 =	vld.idx.msk [tilespmem:v0+s21+$0x3580 ss:$0x1], $0xffff  }
0x86: {  	s2 =	sshll.u32 s2, $0x4;
	v9 =	vld.idx.msk [tilespmem:v0+s26+$0x100 ss:$0x1], $0xffff;
	[tilespmem:s22+$0x17900] =	vst v8;
	v8 =	vmul.f32 v11, v3  }
0x87: {  	s9 =	sadd.s32 $0x180, s2;
	v11 =	vld.idx.msk [tilespmem:v0+s22+$0x3480 ss:$0x1], $0xffff  }
0x88: {  	s1 =	sor.u32 $0x380, s9;
	v7 =	vld [tilespmem:s12+$0x0];
	v12 =	vmul.f32 v12, v4;
	[tilespmem:s23+$0x14800] =	vst v8  }
0x89: {  	v8 =	vmul.f32 v10, v5;
	v10 =	vld.idx.msk [tilespmem:v0+s1+$0x0 ss:$0x1], $0xffff  }
0x8a: {  	[tilespmem:s24+$0x17B80] =	vst v12;
	v12 =	vmul.f32 v13, v1  }
0x8b: {  	[tilespmem:s25+$0x14700] =	vst v8;
	v8 =	vmul.f32 v9, v6;
	v13 =	vld.idx.msk [tilespmem:v0+s24+$0x3700 ss:$0x1], $0xffff  }
0x8c: {  	v9 =	vld.idx.msk [tilespmem:v0+s25+$0x280 ss:$0x1], $0xffff;
	[tilespmem:s21+$0x17A80] =	vst v12;
	v11 =	vmul.f32 v11, v2  }
0x8d: {  	[tilespmem:s26+$0x14600] =	vst v8;
	v8 =	vmul.f32 v14, v7;
	v12 =	vld.idx.msk [tilespmem:v0+s21+$0x3600 ss:$0x1], $0xffff  }
0x8e: {  	v14 =	vld.idx.msk [tilespmem:v0+s26+$0x180 ss:$0x1], $0xffff;
	[tilespmem:s22+$0x17980] =	vst v11;
	v10 =	vmul.f32 v10, v3  }
0x8f: {  	[tilespmem:s28+$0x14500] =	vst v8;
	v11 =	vld.idx.msk [tilespmem:v0+s22+$0x3500 ss:$0x1], $0xffff  }
0x90: {  	v8 =	vmul.f32 v13, v4;
	v13 =	vld.idx.msk [tilespmem:v0+s28+$0x80 ss:$0x1], $0xffff;
	[tilespmem:s1+$0x14500] =	vst v10  }
0x91: {  	s10 =	simm.s32 $0x70;
	v9 =	vmul.f32 v9, v5;
	v10 =	vld.idx.msk [tilespmem:v0+s23+$0x3400 ss:$0x1], $0xffff  }
0x92: {  	[tilespmem:s24+$0x17C00] =	vst v8;
	v12 =	vmul.f32 v12, v1;
	v8 =	vld [tilespmem:s10+$0x0]  }
0x93: {  	[tilespmem:s25+$0x14780] =	vst v9;
	v9 =	vmul.f32 v14, v6;
	v15 =	vld.idx.msk [tilespmem:v0+s24+$0x3780 ss:$0x1], $0xffff  }
0x94: {  	[tilespmem:s21+$0x17B00] =	vst v12;
	v12 =	vld.idx.msk [tilespmem:v0+s25+$0x300 ss:$0x1], $0xffff;
	v11 =	vmul.f32 v11, v2  }
0x95: {  	[tilespmem:s26+$0x14680] =	vst v9;
	v9 =	vld.idx.msk [tilespmem:v0+s21+$0x3680 ss:$0x1], $0xffff;
	v13 =	vmul.f32 v13, v7  }
0x96: {  	v14 =	vld.idx.msk [tilespmem:v0+s26+$0x200 ss:$0x1], $0xffff;
	[tilespmem:s22+$0x17A00] =	vst v11;
	v10 =	vmul.f32 v10, v3  }
0x97: {  	s2 =	simm.s32 $0x380;
	s12 =	simm.s32 $0x4;
	v11 =	vld.idx.msk [tilespmem:v0+s22+$0x3580 ss:$0x1], $0xffff;
	[tilespmem:s28+$0x14580] =	vst v13  }
0x98: {  	s9 =	sand.u32 $0x3C00, s2;
	s3 =	sand.u32 $0x7, s12;
	s1 =	sand.u32 $0x70, s10;
	v13 =	vmul.f32 v15, v4;
	v15 =	vld.idx.msk [tilespmem:v0+s28+$0x100 ss:$0x1], $0xffff;
	[tilespmem:s23+$0x17900] =	vst v10  }
0x99: {  	s3 =	sshll.u32 s3, $0x4;
	s29 =	sor.u32 s1, s9;
	v10 =	vmul.f32 v12, v5;
	v12 =	vld.idx.msk [tilespmem:v0+s23+$0x3480 ss:$0x1], $0xffff  }
0x9a: {  	s13 =	sadd.s32 $0x200, s3;
	v16 =	vld.idx.msk [tilespmem:v0+s29+$0x0 ss:$0x1], $0xffff;
	[tilespmem:s24+$0x17C80] =	vst v13;
	v9 =	vmul.f32 v9, v1  }
0x9b: {  	s1 =	sor.u32 $0x380, s13;
	v14 =	vmul.f32 v14, v6;
	v13 =	vld.idx.msk [tilespmem:v0+s24+$0x6800 ss:$0x1], $0xffff;
	[tilespmem:s25+$0x14800] =	vst v10  }
0x9c: {  	v10 =	vld.idx.msk [tilespmem:v0+s1+$0x0 ss:$0x1], $0xffff;
	v11 =	vmul.f32 v11, v2;
	[tilespmem:s21+$0x17B80] =	vst v9  }
0x9d: {  	[tilespmem:s26+$0x14700] =	vst v14;
	v9 =	vld.idx.msk [tilespmem:v0+s21+$0x3700 ss:$0x1], $0xffff;
	v14 =	vmul.f32 v15, v7  }
0x9e: {  	v15 =	vld.idx.msk [tilespmem:v0+s26+$0x280 ss:$0x1], $0xffff;
	[tilespmem:s22+$0x17A80] =	vst v11;
	v11 =	vmul.f32 v12, v3  }
0x9f: {  	v12 =	vld.idx.msk [tilespmem:v0+s22+$0x3600 ss:$0x1], $0xffff;
	[tilespmem:s28+$0x14600] =	vst v14;
	v14 =	vmul.f32 v16, v8  }
0xa0: {  	v13 =	vmul.f32 v13, v4;
	v16 =	vld.idx.msk [tilespmem:v0+s28+$0x180 ss:$0x1], $0xffff;
	[tilespmem:s23+$0x17980] =	vst v11  }
0xa1: {  	v10 =	vmul.f32 v10, v5;
	v11 =	vld.idx.msk [tilespmem:v0+s23+$0x3500 ss:$0x1], $0xffff;
	[tilespmem:s29+$0x14500] =	vst v14  }
0xa2: {  	[tilespmem:s24+$0x1AD00] =	vst v13;
	v14 =	vld.idx.msk [tilespmem:v0+s29+$0x80 ss:$0x1], $0xffff  }
0xa3: {  	v9 =	vmul.f32 v9, v1;
	v13 =	vld.idx.msk [tilespmem:v0+s24+$0x6880 ss:$0x1], $0xffff;
	[tilespmem:s1+$0x14500] =	vst v10  }
0xa4: {  	s12 =	simm.s32 $0x80;
	v10 =	vmul.f32 v15, v6;
	v15 =	vld.idx.msk [tilespmem:v0+s25+$0x3400 ss:$0x1], $0xffff  }
0xa5: {  	[tilespmem:s21+$0x17C00] =	vst v9;
	v12 =	vmul.f32 v12, v2;
	v9 =	vld [tilespmem:s12+$0x0]  }
0xa6: {  	v17 =	vld.idx.msk [tilespmem:v0+s21+$0x3780 ss:$0x1], $0xffff;
	[tilespmem:s26+$0x14780] =	vst v10;
	v10 =	vmul.f32 v16, v7  }
0xa7: {  	[tilespmem:s22+$0x17B00] =	vst v12;
	v16 =	vld.idx.msk [tilespmem:v0+s26+$0x300 ss:$0x1], $0xffff;
	v11 =	vmul.f32 v11, v3  }
0xa8: {  	[tilespmem:s28+$0x14680] =	vst v10;
	v18 =	vld.idx.msk [tilespmem:v0+s22+$0x3680 ss:$0x1], $0xffff;
	v10 =	vmul.f32 v13, v4  }
0xa9: {  	v13 =	vmul.f32 v14, v8;
	v19 =	vld.idx.msk [tilespmem:v0+s28+$0x200 ss:$0x1], $0xffff;
	[tilespmem:s23+$0x17A00] =	vst v11  }
0xaa: {  	s1 =	simm.s32 $0x400;
	v12 =	vld.idx.msk [tilespmem:v0+s23+$0x3580 ss:$0x1], $0xffff;
	[tilespmem:s24+$0x1AD80] =	vst v10  }
0xab: {  	s3 =	simm.s32 $0x5;
	s10 =	sand.u32 $0x70, s12;
	s13 =	sand.u32 $0x3C00, s1;
	v14 =	vmul.f32 v15, v5;
	[tilespmem:s29+$0x14580] =	vst v13;
	v11 =	vld.idx.msk [tilespmem:v0+s24+$0x6900 ss:$0x1], $0xffff  }
0xac: {  	s15 =	sand.u32 $0x7, s3;
	s31 =	sor.u32 s10, s13;
	v10 =	vmul.f32 v17, v1;
	v15 =	vld.idx.msk [tilespmem:v0+s29+$0x100 ss:$0x1], $0xffff  }
0xad: {  	s9 =	sshll.u32 s15, $0x4;
	[tilespmem:s25+$0x17900] =	vst v14;
	v20 =	vmul.f32 v16, v6;
	v16 =	vld.idx.msk [tilespmem:v0+s31+$0x0 ss:$0x1], $0xffff  }
0xae: {  	s9 =	sadd.s32 $0x280, s9;
	v14 =	vld.idx.msk [tilespmem:v0+s25+$0x3480 ss:$0x1], $0xffff;
	[tilespmem:s21+$0x17C80] =	vst v10;
	v13 =	vmul.f32 v18, v2  }
0xaf: {  	s30 =	sor.u32 s5, s30;
	s13 =	simm.s32 $0x90;
	s10 =	sor.u32 $0x380, s9;
	v10 =	vld.idx.msk [tilespmem:v0+s21+$0x6800 ss:$0x1], $0xffff;
	v17 =	vmul.f32 v19, v7;
	[tilespmem:s26+$0x14800] =	vst v20  }
.LBB2_5:
0xb0: {  	p0 =	sne.s32 s13, $0x670;
	v18 =	vld.idx.msk [tilespmem:v0+s10+$0x0 ss:$0x1], $0xffff;
	v12 =	vmul.f32 v12, v3;
	[tilespmem:s22+$0x17B80] =	vst v13;
	s9 =	smov.u32 s1  }
0xb1: {  	v11 =	vmul.f32 v11, v4;
	[tilespmem:s28+$0x14700] =	vst v17;
	v13 =	vld.idx.msk [tilespmem:v0+s22+$0x3700 ss:$0x1], $0xffff  }
0xb2: {  	v15 =	vmul.f32 v15, v8;
	v17 =	vld.idx.msk [tilespmem:v0+s28+$0x280 ss:$0x1], $0xffff;
	[tilespmem:s23+$0x17A80] =	vst v12  }
0xb3: {  	v12 =	vmul.f32 v14, v5;
	v14 =	vld.idx.msk [tilespmem:v0+s23+$0x3600 ss:$0x1], $0xffff;
	[tilespmem:s24+$0x1AE00] =	vst v11  }
0xb4: {  	v10 =	vmul.f32 v10, v1;
	[tilespmem:s29+$0x14600] =	vst v15;
	v11 =	vld.idx.msk [tilespmem:v0+s24+$0x6980 ss:$0x1], $0xffff  }
0xb5: {  	v15 =	vmul.f32 v16, v9;
	v16 =	vld.idx.msk [tilespmem:v0+s29+$0x180 ss:$0x1], $0xffff;
	[tilespmem:s25+$0x17980] =	vst v12  }
0xb6: {  	v12 =	vmul.f32 v18, v6;
	v18 =	vld.idx.msk [tilespmem:v0+s25+$0x3500 ss:$0x1], $0xffff;
	[tilespmem:s21+$0x1AD00] =	vst v10  }
0xb7: {  	v10 =	vmul.f32 v13, v2;
	[tilespmem:s31+$0x14500] =	vst v15;
	v13 =	vld.idx.msk [tilespmem:v0+s21+$0x6880 ss:$0x1], $0xffff  }
0xb8: {  	v17 =	vmul.f32 v17, v7;
	v15 =	vld.idx.msk [tilespmem:v0+s31+$0x80 ss:$0x1], $0xffff;
	[tilespmem:s10+$0x14500] =	vst v12  }
0xb9: {  	v14 =	vmul.f32 v14, v3;
	v12 =	vld.idx.msk [tilespmem:v0+s26+$0x3400 ss:$0x1], $0xffff;
	[tilespmem:s22+$0x17C00] =	vst v10  }
0xba: {  	s12 =	sadd.s32 $0x10, s12;
	v11 =	vmul.f32 v11, v4;
	v4 =	vmovc v1;
	v1 =	vmov v2;
	v2 =	vmov v3;
	[tilespmem:s28+$0x14780] =	vst v17;
	v10 =	vld.idx.msk [tilespmem:v0+s22+$0x3780 ss:$0x1], $0xffff  }
0xbb: {  	v3 =	vmovc v5;
	v5 =	vmovc v6;
	v6 =	vmov v7;
	v7 =	vmov v8;
	v16 =	vmul.f32 v16, v8;
	v17 =	vld [tilespmem:s12+$0x0];
	[tilespmem:s23+$0x17B00] =	vst v14  }
0xbc: {  	v8 =	vmov v9;
	v18 =	vmul.f32 v18, v3;
	v14 =	vld.idx.msk [tilespmem:v0+s28+$0x300 ss:$0x1], $0xffff;
	[tilespmem:s24+$0x1AE80] =	vst v11;
	s24 =	smov.u32 s21;
	s21 =	smov.u32 s22;
	s22 =	smov.u32 s23  }
0xbd: {  	v20 =	vmul.f32 v13, v4;
	s23 =	smov.u32 s25;
	s25 =	smov.u32 s26;
	s26 =	smov.u32 s28;
	[tilespmem:s29+$0x14680] =	vst v16;
	v16 =	vld.idx.msk [tilespmem:v0+s22+$0x3680 ss:$0x1], $0xffff  }
0xbe: {  	s28 =	smov.u32 s29;
	v11 =	vmul.f32 v15, v8;
	v19 =	vld.idx.msk [tilespmem:v0+s29+$0x200 ss:$0x1], $0xffff;
	[tilespmem:s23+$0x17A00] =	vst v18;
	s29 =	smov.u32 s31  }
0xbf: {  	v13 =	vmul.f32 v12, v5;
	v12 =	vld.idx.msk [tilespmem:v0+s23+$0x3580 ss:$0x1], $0xffff;
	[tilespmem:s24+$0x1AD80] =	vst v20  }
.Ltmp1:
0xc0: {  	s3 =	sadd.s32 $0x1, s3;
	v10 =	vmul.f32 v10, v1;
	[tilespmem:s29+$0x14580] =	vst v11;
	v11 =	vld.idx.msk [tilespmem:v0+s24+$0x6900 ss:$0x1], $0xffff;
	v9 =	vmov v17;
	(pc) =	sbr.rel @p0 .LBB2_5-.Ltmp1, $4  }
0xc1: {  	s1 =	sadd.s32 $0x80, s1;
	s10 =	sand.u32 $0x7, s3;
	v15 =	vld.idx.msk [tilespmem:v0+s29+$0x100 ss:$0x1], $0xffff;
	[tilespmem:s25+$0x17900] =	vst v13  }
0xc2: {  	s15 =	sand.u32 $0x3C00, s1;
	s10 =	sshll.u32 s10, $0x4;
	s31 =	sand.u32 $0x70, s13;
	v18 =	vmul.f32 v14, v6;
	v14 =	vld.idx.msk [tilespmem:v0+s25+$0x3480 ss:$0x1], $0xffff;
	[tilespmem:s21+$0x17C80] =	vst v10  }
0xc3: {  	s10 =	sadd.s32 s10, s0;
	s0 =	smov.u32 s2;
	s31 =	sor.u32 s31, s15;
	v13 =	vmul.f32 v16, v2;
	v10 =	vld.idx.msk [tilespmem:v0+s21+$0x6800 ss:$0x1], $0xffff  }
0xc4: {  	s2 =	smov.u32 s9;
	s10 =	sor.u32 $0x380, s10;
	s13 =	sadd.s32 $0x10, s13;
	v17 =	vmul.f32 v19, v7;
	v16 =	vld.idx.msk [tilespmem:v0+s31+$0x0 ss:$0x1], $0xffff;
	[tilespmem:s26+$0x14800] =	vst v18  }
0xc5: {  	_ =	sdelay $0x3  }
0xc6: {  	v16 =	vmul.f32 v16, v9;
	_ =	sdelay $0x1  }
0xc7: {  	[tilespmem:s31+$0x14500] =	vst v16  }
0xc8: {  	v16 =	vld.idx.msk [tilespmem:v0+s31+$0x80 ss:$0x1], $0xffff;
	_ =	sdelay $0x4  }
0xc9: {  	v16 =	vmul.f32 v16, v9;
	_ =	sdelay $0x1  }
0xca: {  	[tilespmem:s31+$0x14580] =	vst v16  }
0xcb: {  	v16 =	vld.idx.msk [tilespmem:v0+s31+$0x100 ss:$0x1], $0xffff;
	_ =	sdelay $0x3  }
0xcc: {  	v15 =	vmul.f32 v15, v8  }
0xcd: {  	v16 =	vmul.f32 v16, v9  }
0xce: {  	[tilespmem:s29+$0x14600] =	vst v15  }
0xcf: {  	v15 =	vld.idx.msk [tilespmem:v0+s29+$0x180 ss:$0x1], $0xffff;
	[tilespmem:s31+$0x14600] =	vst v16  }
0xd0: {  	v16 =	vld.idx.msk [tilespmem:v0+s31+$0x180 ss:$0x1], $0xffff;
	_ =	sdelay $0x3  }
0xd1: {  	v15 =	vmul.f32 v15, v8  }
0xd2: {  	v16 =	vmul.f32 v16, v9  }
0xd3: {  	[tilespmem:s29+$0x14680] =	vst v15  }
0xd4: {  	v15 =	vld.idx.msk [tilespmem:v0+s29+$0x200 ss:$0x1], $0xffff;
	[tilespmem:s31+$0x14680] =	vst v16  }
0xd5: {  	v16 =	vld.idx.msk [tilespmem:v0+s31+$0x200 ss:$0x1], $0xffff;
	_ =	sdelay $0x3  }
0xd6: {  	v15 =	vmul.f32 v15, v8  }
0xd7: {  	[tilespmem:s28+$0x14700] =	vst v17;
	v16 =	vmul.f32 v16, v9  }
0xd8: {  	v17 =	vld.idx.msk [tilespmem:v0+s28+$0x280 ss:$0x1], $0xffff;
	[tilespmem:s29+$0x14700] =	vst v15  }
0xd9: {  	v15 =	vld.idx.msk [tilespmem:v0+s29+$0x280 ss:$0x1], $0xffff;
	[tilespmem:s31+$0x14700] =	vst v16  }
0xda: {  	v16 =	vld.idx.msk [tilespmem:v0+s31+$0x280 ss:$0x1], $0xffff;
	_ =	sdelay $0x2  }
0xdb: {  	v17 =	vmul.f32 v17, v7  }
0xdc: {  	v15 =	vmul.f32 v15, v8  }
0xdd: {  	[tilespmem:s28+$0x14780] =	vst v17;
	v16 =	vmul.f32 v16, v9  }
0xde: {  	v17 =	vld.idx.msk [tilespmem:v0+s28+$0x300 ss:$0x1], $0xffff;
	[tilespmem:s29+$0x14780] =	vst v15  }
0xdf: {  	v15 =	vld.idx.msk [tilespmem:v0+s29+$0x300 ss:$0x1], $0xffff;
	[tilespmem:s31+$0x14780] =	vst v16  }
0xe0: {  	v16 =	vld.idx.msk [tilespmem:v0+s31+$0x300 ss:$0x1], $0xffff  }
0xe1: {  	s3 =	sadd.s32 $0x1, s3  }
0xe2: {  	s9 =	sand.u32 $0x7, s3;
	s3 =	sadd.s32 $0x1, s3  }
0xe3: {  	s9 =	sshll.u32 s9, $0x4;
	s12 =	sand.u32 $0x7, s3;
	s3 =	sadd.s32 $0x1, s3;
	v17 =	vmul.f32 v17, v7  }
0xe4: {  	s0 =	sadd.s32 s9, s0;
	s15 =	sshll.u32 s12, $0x4;
	s3 =	sand.u32 $0x7, s3;
	v15 =	vmul.f32 v15, v8  }
0xe5: {  	v18 =	vld.idx.msk [tilespmem:v0+s10+$0x0 ss:$0x1], $0xffff;
	s2 =	sadd.s32 s15, s2;
	s0 =	sor.u32 $0x380, s0;
	s3 =	sshll.u32 s3, $0x4;
	[tilespmem:s28+$0x14800] =	vst v17;
	v16 =	vmul.f32 v16, v9  }
0xe6: {  	s2 =	sor.u32 $0x380, s2;
	s1 =	sadd.s32 s3, s1;
	v17 =	vld.idx.msk [tilespmem:v0+s0+$0x0 ss:$0x1], $0xffff;
	[tilespmem:s29+$0x14800] =	vst v15  }
0xe7: {  	s1 =	sor.u32 $0x380, s1;
	v15 =	vld.idx.msk [tilespmem:v0+s2+$0x0 ss:$0x1], $0xffff;
	[tilespmem:s31+$0x14800] =	vst v16  }
0xe8: {  	v16 =	vld.idx.msk [tilespmem:v0+s1+$0x0 ss:$0x1], $0xffff;
	_ =	sdelay $0x1  }
0xe9: {  	v18 =	vmul.f32 v18, v6  }
0xea: {  	v17 =	vmul.f32 v17, v7  }
0xeb: {  	[tilespmem:s10+$0x14500] =	vst v18;
	v15 =	vmul.f32 v15, v8  }
0xec: {  	v18 =	vld.idx.msk [tilespmem:v0+s26+$0x3400 ss:$0x1], $0xffff;
	[tilespmem:s0+$0x14500] =	vst v17;
	v16 =	vmul.f32 v16, v9  }
0xed: {  	v17 =	vld.idx.msk [tilespmem:v0+s28+$0x3400 ss:$0x1], $0xffff;
	[tilespmem:s2+$0x14500] =	vst v15  }
0xee: {  	v15 =	vld.idx.msk [tilespmem:v0+s29+$0x3400 ss:$0x1], $0xffff;
	[tilespmem:s1+$0x14500] =	vst v16  }
0xef: {  	v16 =	vld.idx.msk [tilespmem:v0+s31+$0x3400 ss:$0x1], $0xffff;
	_ =	sdelay $0x1  }
0xf0: {  	v18 =	vmul.f32 v18, v6  }
0xf1: {  	v17 =	vmul.f32 v17, v7  }
0xf2: {  	[tilespmem:s26+$0x17900] =	vst v18;
	v15 =	vmul.f32 v15, v8  }
0xf3: {  	v18 =	vld.idx.msk [tilespmem:v0+s26+$0x3480 ss:$0x1], $0xffff;
	[tilespmem:s28+$0x17900] =	vst v17;
	v16 =	vmul.f32 v16, v9  }
0xf4: {  	v17 =	vld.idx.msk [tilespmem:v0+s28+$0x3480 ss:$0x1], $0xffff;
	[tilespmem:s29+$0x17900] =	vst v15  }
0xf5: {  	v15 =	vld.idx.msk [tilespmem:v0+s29+$0x3480 ss:$0x1], $0xffff;
	[tilespmem:s31+$0x17900] =	vst v16  }
0xf6: {  	v16 =	vld.idx.msk [tilespmem:v0+s31+$0x3480 ss:$0x1], $0xffff  }
0xf7: {  	v14 =	vmul.f32 v14, v5  }
0xf8: {  	v18 =	vmul.f32 v18, v6  }
0xf9: {  	[tilespmem:s25+$0x17980] =	vst v14;
	v48 =	vmul.f32 v17, v7  }
0xfa: {  	v49 =	vld.idx.msk [tilespmem:v0+s25+$0x3500 ss:$0x1], $0xffff;
	[tilespmem:s26+$0x17980] =	vst v18;
	v15 =	vmul.f32 v15, v8  }
0xfb: {  	v18 =	vld.idx.msk [tilespmem:v0+s26+$0x3500 ss:$0x1], $0xffff;
	[tilespmem:s28+$0x17980] =	vst v48;
	v50 =	vmul.f32 v16, v9  }
0xfc: {  	v51 =	vld.idx.msk [tilespmem:v0+s28+$0x3500 ss:$0x1], $0xffff;
	[tilespmem:s29+$0x17980] =	vst v15  }
0xfd: {  	v15 =	vld.idx.msk [tilespmem:v0+s29+$0x3500 ss:$0x1], $0xffff;
	[tilespmem:s31+$0x17980] =	vst v50  }
0xfe: {  	v14 =	vld.idx.msk [tilespmem:v0+s31+$0x3500 ss:$0x1], $0xffff  }
0xff: {  	v17 =	vmul.f32 v49, v5  }
0x100: {  	v18 =	vmul.f32 v18, v6  }
0x101: {  	[tilespmem:s25+$0x17A00] =	vst v17;
	v16 =	vmul.f32 v51, v7  }
0x102: {  	[tilespmem:s26+$0x17A00] =	vst v18;
	v17 =	vld.idx.msk [tilespmem:v0+s25+$0x3580 ss:$0x1], $0xffff;
	v15 =	vmul.f32 v15, v8  }
0x103: {  	v18 =	vld.idx.msk [tilespmem:v0+s26+$0x3580 ss:$0x1], $0xffff;
	[tilespmem:s28+$0x17A00] =	vst v16;
	v14 =	vmul.f32 v14, v9  }
0x104: {  	[tilespmem:s29+$0x17A00] =	vst v15;
	v16 =	vld.idx.msk [tilespmem:v0+s28+$0x3580 ss:$0x1], $0xffff  }
0x105: {  	v15 =	vld.idx.msk [tilespmem:v0+s29+$0x3580 ss:$0x1], $0xffff;
	[tilespmem:s31+$0x17A00] =	vst v14  }
0x106: {  	v12 =	vmul.f32 v12, v3;
	v14 =	vld.idx.msk [tilespmem:v0+s31+$0x3580 ss:$0x1], $0xffff  }
0x107: {  	v17 =	vmul.f32 v17, v5  }
0x108: {  	[tilespmem:s23+$0x17A80] =	vst v12;
	v52 =	vmul.f32 v18, v6  }
0x109: {  	v53 =	vld.idx.msk [tilespmem:v0+s23+$0x3600 ss:$0x1], $0xffff;
	[tilespmem:s25+$0x17A80] =	vst v17;
	v16 =	vmul.f32 v16, v7  }
0x10a: {  	[tilespmem:s26+$0x17A80] =	vst v52;
	v17 =	vld.idx.msk [tilespmem:v0+s25+$0x3600 ss:$0x1], $0xffff;
	v54 =	vmul.f32 v15, v8  }
0x10b: {  	v55 =	vld.idx.msk [tilespmem:v0+s26+$0x3600 ss:$0x1], $0xffff;
	[tilespmem:s28+$0x17A80] =	vst v16;
	v14 =	vmul.f32 v14, v9  }
0x10c: {  	[tilespmem:s29+$0x17A80] =	vst v54;
	v16 =	vld.idx.msk [tilespmem:v0+s28+$0x3600 ss:$0x1], $0xffff  }
0x10d: {  	v12 =	vld.idx.msk [tilespmem:v0+s29+$0x3600 ss:$0x1], $0xffff;
	[tilespmem:s31+$0x17A80] =	vst v14  }
0x10e: {  	v56 =	vmul.f32 v53, v3;
	v57 =	vld.idx.msk [tilespmem:v0+s31+$0x3600 ss:$0x1], $0xffff  }
0x10f: {  	v17 =	vmul.f32 v17, v5  }
0x110: {  	[tilespmem:s23+$0x17B00] =	vst v56;
	v58 =	vmul.f32 v55, v6  }
0x111: {  	v59 =	vld.idx.msk [tilespmem:v0+s23+$0x3680 ss:$0x1], $0xffff;
	[tilespmem:s25+$0x17B00] =	vst v17;
	v16 =	vmul.f32 v16, v7  }
0x112: {  	[tilespmem:s26+$0x17B00] =	vst v58;
	v17 =	vld.idx.msk [tilespmem:v0+s25+$0x3680 ss:$0x1], $0xffff;
	v12 =	vmul.f32 v12, v8  }
0x113: {  	v14 =	vld.idx.msk [tilespmem:v0+s26+$0x3680 ss:$0x1], $0xffff;
	[tilespmem:s28+$0x17B00] =	vst v16;
	v60 =	vmul.f32 v57, v9  }
0x114: {  	[tilespmem:s29+$0x17B00] =	vst v12;
	v61 =	vld.idx.msk [tilespmem:v0+s28+$0x3680 ss:$0x1], $0xffff  }
0x115: {  	v12 =	vld.idx.msk [tilespmem:v0+s29+$0x3680 ss:$0x1], $0xffff;
	[tilespmem:s31+$0x17B00] =	vst v60  }
0x116: {  	v15 =	vmul.f32 v59, v3;
	v16 =	vld.idx.msk [tilespmem:v0+s31+$0x3680 ss:$0x1], $0xffff  }
0x117: {  	[tilespmem:s22+$0x17B80] =	vst v13;
	v62 =	vmul.f32 v17, v5  }
0x118: {  	v63 =	vld.idx.msk [tilespmem:v0+s22+$0x3700 ss:$0x1], $0xffff;
	[tilespmem:s23+$0x17B80] =	vst v15;
	v14 =	vmul.f32 v14, v6  }
0x119: {  	[tilespmem:s25+$0x17B80] =	vst v62;
	v15 =	vld.idx.msk [tilespmem:v0+s23+$0x3700 ss:$0x1], $0xffff;
	v21 =	vmul.f32 v61, v7  }
0x11a: {  	v22 =	vld.idx.msk [tilespmem:v0+s25+$0x3700 ss:$0x1], $0xffff;
	v12 =	vmul.f32 v12, v8;
	[tilespmem:s26+$0x17B80] =	vst v14  }
0x11b: {  	v14 =	vld.idx.msk [tilespmem:v0+s26+$0x3700 ss:$0x1], $0xffff;
	[tilespmem:s28+$0x17B80] =	vst v21;
	v23 =	vmul.f32 v16, v9  }
0x11c: {  	v11 =	vmul.f32 v11, v4;
	[tilespmem:s29+$0x17B80] =	vst v12;
	v24 =	vld.idx.msk [tilespmem:v0+s28+$0x3700 ss:$0x1], $0xffff  }
0x11d: {  	v25 =	vmul.f32 v63, v2;
	v26 =	vld.idx.msk [tilespmem:v0+s29+$0x3700 ss:$0x1], $0xffff;
	[tilespmem:s31+$0x17B80] =	vst v23  }
0x11e: {  	[tilespmem:s24+$0x1AE00] =	vst v11;
	v11 =	vmul.f32 v15, v3;
	v13 =	vld.idx.msk [tilespmem:v0+s31+$0x3700 ss:$0x1], $0xffff  }
0x11f: {  	[tilespmem:s22+$0x17C00] =	vst v25;
	v27 =	vmul.f32 v22, v5  }
0x120: {  	v28 =	vld.idx.msk [tilespmem:v0+s22+$0x3780 ss:$0x1], $0xffff;
	[tilespmem:s23+$0x17C00] =	vst v11;
	v11 =	vmul.f32 v14, v6  }
0x121: {  	[tilespmem:s25+$0x17C00] =	vst v27;
	v29 =	vld.idx.msk [tilespmem:v0+s23+$0x3780 ss:$0x1], $0xffff;
	v30 =	vmul.f32 v24, v7  }
0x122: {  	v31 =	vld.idx.msk [tilespmem:v0+s25+$0x3780 ss:$0x1], $0xffff;
	[tilespmem:s26+$0x17C00] =	vst v11;
	v11 =	vmul.f32 v26, v8  }
0x123: {  	v32 =	vld.idx.msk [tilespmem:v0+s26+$0x3780 ss:$0x1], $0xffff;
	[tilespmem:s28+$0x17C00] =	vst v30;
	v33 =	vmul.f32 v13, v9  }
0x124: {  	v10 =	vmul.f32 v10, v1;
	v34 =	vld.idx.msk [tilespmem:v0+s28+$0x3780 ss:$0x1], $0xffff;
	[tilespmem:s29+$0x17C00] =	vst v11  }
0x125: {  	v11 =	vmul.f32 v28, v2;
	v35 =	vld.idx.msk [tilespmem:v0+s29+$0x3780 ss:$0x1], $0xffff;
	[tilespmem:s31+$0x17C00] =	vst v33  }
0x126: {  	[tilespmem:s21+$0x1AD00] =	vst v10;
	v10 =	vmul.f32 v29, v3;
	v12 =	vld.idx.msk [tilespmem:v0+s31+$0x3780 ss:$0x1], $0xffff  }
0x127: {  	v36 =	vld.idx.msk [tilespmem:v0+s24+$0x6980 ss:$0x1], $0xffff;
	[tilespmem:s22+$0x17C80] =	vst v11;
	v11 =	vmul.f32 v31, v5  }
0x128: {  	[tilespmem:s23+$0x17C80] =	vst v10;
	v37 =	vld.idx.msk [tilespmem:v0+s22+$0x6800 ss:$0x1], $0xffff;
	v10 =	vmul.f32 v32, v6  }
0x129: {  	v38 =	vld.idx.msk [tilespmem:v0+s23+$0x6800 ss:$0x1], $0xffff;
	[tilespmem:s25+$0x17C80] =	vst v11;
	v11 =	vmul.f32 v34, v7  }
0x12a: {  	v39 =	vld.idx.msk [tilespmem:v0+s25+$0x6800 ss:$0x1], $0xffff;
	[tilespmem:s26+$0x17C80] =	vst v10;
	v10 =	vmul.f32 v35, v8  }
0x12b: {  	v40 =	vld.idx.msk [tilespmem:v0+s26+$0x6800 ss:$0x1], $0xffff;
	[tilespmem:s28+$0x17C80] =	vst v11;
	v11 =	vmul.f32 v12, v9  }
0x12c: {  	v4 =	vmul.f32 v36, v4;
	v41 =	vld.idx.msk [tilespmem:v0+s28+$0x6800 ss:$0x1], $0xffff;
	[tilespmem:s29+$0x17C80] =	vst v10  }
0x12d: {  	v10 =	vmul.f32 v37, v2;
	v42 =	vld.idx.msk [tilespmem:v0+s29+$0x6800 ss:$0x1], $0xffff;
	[tilespmem:s31+$0x17C80] =	vst v11  }
0x12e: {  	[tilespmem:s24+$0x1AE80] =	vst v4;
	v4 =	vmul.f32 v38, v3;
	v11 =	vld.idx.msk [tilespmem:v0+s31+$0x6800 ss:$0x1], $0xffff  }
0x12f: {  	v43 =	vld.idx.msk [tilespmem:v0+s21+$0x6880 ss:$0x1], $0xffff;
	[tilespmem:s22+$0x1AD00] =	vst v10;
	v10 =	vmul.f32 v39, v5  }
0x130: {  	[tilespmem:s23+$0x1AD00] =	vst v4;
	v44 =	vld.idx.msk [tilespmem:v0+s22+$0x6880 ss:$0x1], $0xffff;
	v4 =	vmul.f32 v40, v6  }
0x131: {  	v45 =	vld.idx.msk [tilespmem:v0+s23+$0x6880 ss:$0x1], $0xffff;
	[tilespmem:s25+$0x1AD00] =	vst v10;
	v10 =	vmul.f32 v41, v7  }
0x132: {  	v46 =	vld.idx.msk [tilespmem:v0+s25+$0x6880 ss:$0x1], $0xffff;
	[tilespmem:s26+$0x1AD00] =	vst v4;
	v4 =	vmul.f32 v42, v8  }
0x133: {  	v47 =	vld.idx.msk [tilespmem:v0+s26+$0x6880 ss:$0x1], $0xffff;
	[tilespmem:s28+$0x1AD00] =	vst v10;
	v10 =	vmul.f32 v11, v9  }
0x134: {  	v48 =	vld.idx.msk [tilespmem:v0+s28+$0x6880 ss:$0x1], $0xffff;
	[tilespmem:s29+$0x1AD00] =	vst v4;
	v11 =	vmul.f32 v43, v1  }
0x135: {  	v4 =	vmul.f32 v44, v2;
	v49 =	vld.idx.msk [tilespmem:v0+s29+$0x6880 ss:$0x1], $0xffff;
	[tilespmem:s31+$0x1AD00] =	vst v10  }
0x136: {  	[tilespmem:s21+$0x1AD80] =	vst v11;
	v10 =	vmul.f32 v45, v3;
	v11 =	vld.idx.msk [tilespmem:v0+s31+$0x6880 ss:$0x1], $0xffff  }
0x137: {  	[tilespmem:s22+$0x1AD80] =	vst v4;
	v4 =	vmul.f32 v46, v5;
	v50 =	vld.idx.msk [tilespmem:v0+s21+$0x6900 ss:$0x1], $0xffff  }
0x138: {  	v51 =	vld.idx.msk [tilespmem:v0+s22+$0x6900 ss:$0x1], $0xffff;
	[tilespmem:s23+$0x1AD80] =	vst v10;
	v10 =	vmul.f32 v47, v6  }
0x139: {  	[tilespmem:s25+$0x1AD80] =	vst v4;
	v4 =	vmul.f32 v48, v7;
	v52 =	vld.idx.msk [tilespmem:v0+s23+$0x6900 ss:$0x1], $0xffff  }
0x13a: {  	v53 =	vld.idx.msk [tilespmem:v0+s25+$0x6900 ss:$0x1], $0xffff;
	[tilespmem:s26+$0x1AD80] =	vst v10;
	v10 =	vmul.f32 v49, v8  }
0x13b: {  	[tilespmem:s28+$0x1AD80] =	vst v4;
	v54 =	vld.idx.msk [tilespmem:v0+s26+$0x6900 ss:$0x1], $0xffff;
	v4 =	vmul.f32 v11, v9  }
0x13c: {  	v55 =	vld.idx.msk [tilespmem:v0+s28+$0x6900 ss:$0x1], $0xffff;
	v11 =	vmul.f32 v50, v1;
	[tilespmem:s29+$0x1AD80] =	vst v10  }
0x13d: {  	v10 =	vmul.f32 v51, v2;
	v56 =	vld.idx.msk [tilespmem:v0+s29+$0x6900 ss:$0x1], $0xffff;
	[tilespmem:s31+$0x1AD80] =	vst v4  }
0x13e: {  	[tilespmem:s21+$0x1AE00] =	vst v11;
	v4 =	vmul.f32 v52, v3;
	v11 =	vld.idx.msk [tilespmem:v0+s31+$0x6900 ss:$0x1], $0xffff  }
0x13f: {  	[tilespmem:s22+$0x1AE00] =	vst v10;
	v10 =	vmul.f32 v53, v5;
	v57 =	vld.idx.msk [tilespmem:v0+s21+$0x6980 ss:$0x1], $0xffff  }
0x140: {  	v58 =	vld.idx.msk [tilespmem:v0+s22+$0x6980 ss:$0x1], $0xffff;
	[tilespmem:s23+$0x1AE00] =	vst v4;
	v4 =	vmul.f32 v54, v6  }
0x141: {  	[tilespmem:s25+$0x1AE00] =	vst v10;
	v10 =	vmul.f32 v55, v7;
	v59 =	vld.idx.msk [tilespmem:v0+s23+$0x6980 ss:$0x1], $0xffff  }
0x142: {  	v60 =	vld.idx.msk [tilespmem:v0+s25+$0x6980 ss:$0x1], $0xffff;
	[tilespmem:s26+$0x1AE00] =	vst v4;
	v4 =	vmul.f32 v56, v8  }
0x143: {  	[tilespmem:s28+$0x1AE00] =	vst v10;
	v61 =	vld.idx.msk [tilespmem:v0+s26+$0x6980 ss:$0x1], $0xffff;
	v10 =	vmul.f32 v11, v9  }
0x144: {  	v1 =	vmul.f32 v57, v1;
	v11 =	vld.idx.msk [tilespmem:v0+s28+$0x6980 ss:$0x1], $0xffff;
	[tilespmem:s29+$0x1AE00] =	vst v4  }
0x145: {  	v2 =	vmul.f32 v58, v2;
	v4 =	vld.idx.msk [tilespmem:v0+s29+$0x6980 ss:$0x1], $0xffff;
	[tilespmem:s31+$0x1AE00] =	vst v10  }
0x146: {  	[tilespmem:s21+$0x1AE80] =	vst v1;
	v1 =	vmul.f32 v59, v3;
	v3 =	vld.idx.msk [tilespmem:v0+s31+$0x6980 ss:$0x1], $0xffff  }
0x147: {  	[tilespmem:s22+$0x1AE80] =	vst v2;
	v2 =	vmul.f32 v60, v5  }
0x148: {  	[tilespmem:s23+$0x1AE80] =	vst v1;
	v1 =	vmul.f32 v61, v6  }
0x149: {  	[tilespmem:s25+$0x1AE80] =	vst v2;
	v2 =	vmul.f32 v11, v7  }
0x14a: {  	s13 =	simm.s32 $0x0;
	[tilespmem:s26+$0x1AE80] =	vst v1;
	v1 =	vmul.f32 v4, v8  }
0x14b: {  	s15 =	sand.u32 $0x3C00, s13;
	s21 =	smul.u32 $0x1380, s30;
	[tilespmem:s28+$0x1AE80] =	vst v2;
	v2 =	vmul.f32 v3, v9  }
0x14c: {  	s0 =	sadd.s32 s15, s20;
	[tilespmem:s29+$0x1AE80] =	vst v1  }
0x14d: {  	s22 =	simm.s32 $0x680;
	s12 =	sadd.s32 s7, s21;
	s23 =	sand.u32 $0x70, s13;
	[tilespmem:s31+$0x1AE80] =	vst v2  }
0x14e: {  	[hbm4b:s12+s13] =	stream.linear.scatter [tilespmem:s14], [sflag:$0x4], $0x9C00, $0x38;
	[tilespmem:$0x1E100] =	vst v63  }
0x14f: {  	s0 =	sadd.s32 s23, s0;
	v3 =	vld [tilespmem:s22+$0x0]  }
0x150: {  	v1 =	vld [tilespmem:s0+$0x0];
	_ =	sdelay $0x1  }
0x151: {  	v2 =	vld [tilespmem:s0+$0x80]  }
0x152: {  	v4 =	vld [tilespmem:s0+$0x100]  }
0x153: {  	v5 =	vld [tilespmem:s0+$0x180]  }
0x154: {  	v6 =	vld [tilespmem:s0+$0x200];
	v1 =	vmul.f32 v1, v3  }
0x155: {  	v7 =	vld [tilespmem:s0+$0x280]  }
0x156: {  	[tilespmem:s0+$0x0] =	vst v1;
	v1 =	vmul.f32 v2, v3;
	v2 =	vld [tilespmem:s0+$0x300]  }
0x157: {  	v4 =	vmul.f32 v4, v3  }
0x158: {  	[tilespmem:s0+$0x80] =	vst v1;
	v1 =	vmul.f32 v5, v3  }
0x159: {  	[tilespmem:s0+$0x100] =	vst v4;
	v4 =	vmul.f32 v6, v3  }
0x15a: {  	s1 =	sand.u32 $0x7, s13;
	[tilespmem:s0+$0x180] =	vst v1;
	v1 =	vmul.f32 v7, v3  }
0x15b: {  	s1 =	sshll.u32 s1, $0x4;
	[tilespmem:s0+$0x200] =	vst v4;
	v2 =	vmul.f32 v2, v3  }
0x15c: {  	s1 =	sadd.s32 $0x0, s1;
	[tilespmem:s0+$0x280] =	vst v1  }
0x15d: {  	s1 =	sor.u32 $0x380, s1;
	[tilespmem:s0+$0x300] =	vst v2  }
0x15e: {  	s24 =	simm.s32 $0x80;
	v2 =	vld.idx.msk [tilespmem:v0+s1+$0x0 ss:$0x1], $0xffff  }
0x15f: {  	s2 =	sand.u32 $0x3C00, s24;
	s25 =	simm.s32 $0x10  }
0x160: {  	s2 =	sadd.s32 s2, s20;
	s3 =	sand.u32 $0x70, s25  }
0x161: {  	s22 =	sadd.s32 s3, s2  }
0x162: {  	v8 =	vld [tilespmem:s22+$0x200]  }
0x163: {  	s26 =	simm.s32 $0x690;
	v4 =	vld [tilespmem:s22+$0x0];
	v2 =	vmul.f32 v2, v3  }
0x164: {  	v1 =	vld [tilespmem:s26+$0x0]  }
0x165: {  	v5 =	vld [tilespmem:s22+$0x80];
	[tilespmem:v0+s1+$0x0 ss:$0x1] =	vst.idx.msk $0xffff, v2  }
0x166: {  	v2 =	vld [tilespmem:s0+$0x6980]  }
0x167: {  	v6 =	vld [tilespmem:s22+$0x100]  }
0x168: {  	v7 =	vld [tilespmem:s22+$0x180]  }
0x169: {  	v9 =	vld [tilespmem:s22+$0x280];
	v4 =	vmul.f32 v4, v1  }
0x16a: {  	v5 =	vmul.f32 v5, v1;
	v10 =	vld [tilespmem:s0+$0x3400]  }
0x16b: {  	v62 =	vld [tilespmem:s22+$0x300];
	[tilespmem:s22+$0x0] =	vst v4;
	v2 =	vmul.f32 v2, v3  }
0x16c: {  	v6 =	vmul.f32 v6, v1;
	[tilespmem:s22+$0x80] =	vst v5;
	v4 =	vld [tilespmem:s0+$0x3500]  }
0x16d: {  	[tilespmem:s0+$0x6980] =	vst v2;
	v2 =	vmul.f32 v7, v1  }
0x16e: {  	v9 =	vmul.f32 v9, v1;
	[tilespmem:s22+$0x100] =	vst v6;
	v11 =	vld [tilespmem:s0+$0x3480]  }
0x16f: {  	s1 =	simm.s32 $0x1;
	v5 =	vld [tilespmem:s0+$0x3580];
	[tilespmem:s22+$0x180] =	vst v2;
	v2 =	vmul.f32 v10, v3  }
0x170: {  	v6 =	vmul.f32 v8, v1;
	[tilespmem:s22+$0x280] =	vst v9;
	v8 =	vld [tilespmem:s0+$0x3680];
	s28 =	sand.u32 $0x7, s1  }
0x171: {  	v63 =	vld [tilespmem:s0+$0x6900];
	s2 =	sshll.u32 s28, $0x4;
	[tilespmem:s0+$0x3400] =	vst v2;
	v2 =	vmul.f32 v4, v3;
	v4 =	vmul.f32 v62, v1  }
0x172: {  	[tilespmem:s22+$0x200] =	vst v6;
	s2 =	sadd.s32 $0x80, s2;
	v7 =	vld [tilespmem:s0+$0x3600]  }
0x173: {  	s29 =	sor.u32 $0x380, s2;
	v6 =	vmul.f32 v11, v3;
	v10 =	vld [tilespmem:s0+$0x3700];
	[tilespmem:s22+$0x300] =	vst v4  }
0x174: {  	s2 =	simm.s32 $0x100;
	v5 =	vmul.f32 v5, v3;
	v9 =	vld.idx.msk [tilespmem:v0+s29+$0x0 ss:$0x1], $0xffff  }
0x175: {  	s30 =	simm.s32 $0x20;
	s31 =	sand.u32 $0x3C00, s2;
	[tilespmem:s0+$0x3480] =	vst v6;
	v4 =	vld [tilespmem:s0+$0x6800]  }
0x176: {  	s3 =	sand.u32 $0x70, s30;
	s10 =	sadd.s32 s31, s20;
	v6 =	vld [tilespmem:s0+$0x3780];
	[tilespmem:s0+$0x3580] =	vst v5;
	v5 =	vmul.f32 v8, v3  }
0x177: {  	v11 =	vld [tilespmem:s0+$0x6880];
	s3 =	sadd.s32 s3, s10;
	[tilespmem:s0+$0x3500] =	vst v2;
	v2 =	vmul.f32 v7, v3  }
0x178: {  	s12 =	simm.s32 $0x6A0;
	[tilespmem:s0+$0x3680] =	vst v5;
	v7 =	vld [tilespmem:s3+$0x0];
	v8 =	vmul.f32 v10, v3  }
0x179: {  	[tilespmem:s0+$0x3600] =	vst v2;
	v2 =	vld [tilespmem:s12+$0x0];
	v5 =	vmul.f32 v9, v1  }
0x17a: {  	[tilespmem:s0+$0x3700] =	vst v8;
	v8 =	vld [tilespmem:s3+$0x80];
	v10 =	vmul.f32 v4, v3  }
0x17b: {  	v9 =	vmul.f32 v6, v3;
	v6 =	vld [tilespmem:s3+$0x100];
	[tilespmem:v0+s29+$0x0 ss:$0x1] =	vst.idx.msk $0xffff, v5  }
0x17c: {  	v4 =	vmul.f32 v11, v3;
	[tilespmem:s0+$0x6800] =	vst v10;
	v5 =	vld [tilespmem:s22+$0x6980]  }
0x17d: {  	s9 =	simm.s32 $0x30;
	v3 =	vmul.f32 v63, v3;
	[tilespmem:s0+$0x3780] =	vst v9;
	v9 =	vld [tilespmem:s3+$0x180]  }
.LBB2_7:
0x17e: {  	p0 =	sne.s32 s9, $0x670;
	v7 =	vmul.f32 v7, v2;
	v10 =	vld [tilespmem:s3+$0x200];
	[tilespmem:s0+$0x6880] =	vst v4  }
0x17f: {  	v4 =	vmul.f32 v8, v2;
	v8 =	vld [tilespmem:s3+$0x280];
	[tilespmem:s0+$0x6900] =	vst v3;
	s0 =	smov.u32 s22;
	s22 =	smov.u32 s3  }
0x180: {  	[tilespmem:s22+$0x0] =	vst v7;
	v3 =	vmul.f32 v6, v2;
	v6 =	vld [tilespmem:s22+$0x300]  }
0x181: {  	[tilespmem:s22+$0x80] =	vst v4;
	v4 =	vld [tilespmem:s0+$0x3400];
	v5 =	vmul.f32 v5, v1  }
0x182: {  	[tilespmem:s22+$0x100] =	vst v3;
	v3 =	vmul.f32 v9, v2;
	v7 =	vld [tilespmem:s0+$0x3480]  }
0x183: {  	s1 =	sadd.s32 $0x1, s1;
	v9 =	vmul.f32 v10, v2;
	v10 =	vld [tilespmem:s0+$0x3500];
	[tilespmem:s0+$0x6980] =	vst v5  }
0x184: {  	s3 =	sand.u32 $0x7, s1;
	[tilespmem:s22+$0x180] =	vst v3;
	v3 =	vmul.f32 v8, v2;
	v5 =	vld [tilespmem:s0+$0x3580]  }
0x185: {  	s3 =	sshll.u32 s3, $0x4;
	[tilespmem:s22+$0x200] =	vst v9;
	v6 =	vmul.f32 v6, v2;
	v8 =	vld [tilespmem:s0+$0x3600]  }
0x186: {  	s3 =	sadd.s32 s3, s2;
	[tilespmem:s22+$0x280] =	vst v3;
	v3 =	vmul.f32 v4, v1;
	v4 =	vld [tilespmem:s0+$0x3680]  }
0x187: {  	s10 =	sor.u32 $0x380, s3;
	[tilespmem:s22+$0x300] =	vst v6;
	v6 =	vmul.f32 v7, v1;
	v7 =	vld [tilespmem:s0+$0x3700]  }
0x188: {  	v9 =	vld.idx.msk [tilespmem:v0+s10+$0x0 ss:$0x1], $0xffff;
	[tilespmem:s0+$0x3400] =	vst v3;
	v3 =	vmul.f32 v10, v1  }
0x189: {  	[tilespmem:s0+$0x3480] =	vst v6;
	v5 =	vmul.f32 v5, v1;
	v6 =	vld [tilespmem:s0+$0x3780]  }
0x18a: {  	s2 =	sadd.s32 $0x80, s2;
	[tilespmem:s0+$0x3500] =	vst v3;
	v3 =	vmul.f32 v8, v1;
	v10 =	vld [tilespmem:s0+$0x6800]  }
0x18b: {  	s3 =	sand.u32 $0x3C00, s2;
	[tilespmem:s0+$0x3580] =	vst v5;
	v4 =	vmul.f32 v4, v1;
	v5 =	vld [tilespmem:s0+$0x6880]  }
0x18c: {  	s13 =	sand.u32 $0x70, s9;
	s12 =	sadd.s32 $0x10, s12;
	s3 =	sadd.s32 s3, s20;
	[tilespmem:s0+$0x3600] =	vst v3;
	v3 =	vmul.f32 v7, v1;
	v11 =	vld [tilespmem:s0+$0x6900]  }
0x18d: {  	s3 =	sadd.s32 s13, s3;
	v12 =	vld [tilespmem:s12+$0x0];
	[tilespmem:s0+$0x3680] =	vst v4  }
.Ltmp2:
0x18e: {  	v4 =	vmul.f32 v9, v2;
	v7 =	vld [tilespmem:s3+$0x0];
	[tilespmem:s0+$0x3700] =	vst v3;
	v3 =	vmul.f32 v6, v1;
	(pc) =	sbr.rel @p0 .LBB2_7-.Ltmp2, $4  }
0x18f: {  	v8 =	vld [tilespmem:s3+$0x80];
	v10 =	vmul.f32 v10, v1  }
0x190: {  	v6 =	vld [tilespmem:s3+$0x100];
	[tilespmem:v0+s10+$0x0 ss:$0x1] =	vst.idx.msk $0xffff, v4;
	v4 =	vmul.f32 v5, v1  }
0x191: {  	v5 =	vld [tilespmem:s22+$0x6980];
	[tilespmem:s0+$0x3780] =	vst v3;
	v3 =	vmul.f32 v11, v1;
	v1 =	vmov v2  }
0x192: {  	s9 =	sadd.s32 $0x10, s9;
	v9 =	vld [tilespmem:s3+$0x180];
	[tilespmem:s0+$0x6800] =	vst v10;
	v2 =	vmov v12  }
0x193: {  	v10 =	vld [tilespmem:s3+$0x200]  }
0x194: {  	v7 =	vmul.f32 v7, v2;
	v11 =	vld [tilespmem:s3+$0x280]  }
0x195: {  	v20 =	vld [tilespmem:s3+$0x300];
	v19 =	vmul.f32 v8, v2  }
0x196: {  	[tilespmem:s3+$0x0] =	vst v7;
	v6 =	vmul.f32 v6, v2  }
0x197: {  	[tilespmem:s3+$0x80] =	vst v19;
	v21 =	vmul.f32 v9, v2  }
0x198: {  	s1 =	sadd.s32 $0x1, s1;
	[tilespmem:s3+$0x100] =	vst v6;
	v22 =	vmul.f32 v10, v2  }
0x199: {  	v24 =	vld [tilespmem:s22+$0x3400];
	s1 =	sand.u32 $0x7, s1;
	v23 =	vmul.f32 v11, v2;
	[tilespmem:s3+$0x180] =	vst v21  }
0x19a: {  	v26 =	vld [tilespmem:s22+$0x3480];
	s1 =	sshll.u32 s1, $0x4;
	v25 =	vmul.f32 v20, v2;
	[tilespmem:s3+$0x200] =	vst v22  }
0x19b: {  	v27 =	vld [tilespmem:s22+$0x3500];
	s1 =	sadd.s32 s1, s2;
	[tilespmem:s3+$0x280] =	vst v23  }
0x19c: {  	v29 =	vld [tilespmem:s22+$0x3580];
	s1 =	sor.u32 $0x380, s1;
	[tilespmem:s3+$0x300] =	vst v25  }
0x19d: {  	[tilespmem:s0+$0x6880] =	vst v4;
	v5 =	vmul.f32 v5, v1;
	v28 =	vld.idx.msk [tilespmem:v0+s1+$0x0 ss:$0x1], $0xffff  }
0x19e: {  	v30 =	vld [tilespmem:s22+$0x3600];
	[tilespmem:s0+$0x6900] =	vst v3;
	v9 =	vmul.f32 v24, v1  }
0x19f: {  	v31 =	vld [tilespmem:s22+$0x3680];
	[tilespmem:s22+$0x6980] =	vst v5;
	v8 =	vmul.f32 v26, v1  }
0x1a0: {  	v12 =	vld [tilespmem:s22+$0x3700];
	v7 =	vmul.f32 v27, v1;
	[tilespmem:s22+$0x3400] =	vst v9  }
0x1a1: {  	v32 =	vld [tilespmem:s22+$0x3780];
	v33 =	vmul.f32 v29, v1;
	[tilespmem:s22+$0x3480] =	vst v8  }
0x1a2: {  	v34 =	vld [tilespmem:s22+$0x6800];
	[tilespmem:s22+$0x3500] =	vst v7;
	v5 =	vmul.f32 v28, v2  }
0x1a3: {  	v13 =	vld [tilespmem:s22+$0x6900];
	v36 =	vmul.f32 v30, v1;
	[tilespmem:s22+$0x3580] =	vst v33  }
0x1a4: {  	v35 =	vld [tilespmem:s22+$0x6880];
	v41 =	vmul.f32 v31, v1;
	[tilespmem:v0+s1+$0x0 ss:$0x1] =	vst.idx.msk $0xffff, v5  }
0x1a5: {  	v47 =	vmul.f32 v12, v1;
	[tilespmem:s22+$0x3600] =	vst v36;
	v5 =	vld [tilespmem:s3+$0x6980]  }
0x1a6: {  	v49 =	vmul.f32 v32, v1;
	[tilespmem:s22+$0x3680] =	vst v41;
	v37 =	vld [tilespmem:s3+$0x3400]  }
0x1a7: {  	v52 =	vmul.f32 v34, v1;
	[tilespmem:s22+$0x3700] =	vst v47;
	v38 =	vld [tilespmem:s3+$0x3480]  }
0x1a8: {  	v56 =	vmul.f32 v13, v1;
	[tilespmem:s22+$0x3780] =	vst v49;
	v39 =	vld [tilespmem:s3+$0x3500]  }
0x1a9: {  	[tilespmem:s22+$0x6800] =	vst v52;
	v0 =	vmul.f32 v35, v1;
	v40 =	vld [tilespmem:s3+$0x3580]  }
0x1aa: {  	[tilespmem:s22+$0x6900] =	vst v56;
	v42 =	vld [tilespmem:s3+$0x3600];
	v5 =	vmul.f32 v5, v2  }
0x1ab: {  	v44 =	vld [tilespmem:s3+$0x3680];
	[tilespmem:s22+$0x6880] =	vst v0;
	v43 =	vmul.f32 v37, v2  }
0x1ac: {  	v46 =	vld [tilespmem:s3+$0x3700];
	v45 =	vmul.f32 v38, v2;
	[tilespmem:s3+$0x6980] =	vst v5  }
0x1ad: {  	v50 =	vld [tilespmem:s3+$0x3780];
	v48 =	vmul.f32 v39, v2;
	[tilespmem:s3+$0x3400] =	vst v43  }
0x1ae: {  	v53 =	vld [tilespmem:s3+$0x6800];
	v51 =	vmul.f32 v40, v2;
	[tilespmem:s3+$0x3480] =	vst v45  }
0x1af: {  	v55 =	vld [tilespmem:s3+$0x6880];
	v54 =	vmul.f32 v42, v2;
	[tilespmem:s3+$0x3500] =	vst v48  }
0x1b0: {  	v58 =	vld [tilespmem:s3+$0x6900];
	v57 =	vmul.f32 v44, v2;
	[tilespmem:s3+$0x3580] =	vst v51  }
0x1b1: {  	v59 =	vmul.f32 v46, v2;
	[tilespmem:s3+$0x3600] =	vst v54  }
0x1b2: {  	v60 =	vmul.f32 v50, v2;
	[tilespmem:s3+$0x3680] =	vst v57  }
0x1b3: {  	p0 =	slt.u32 s19, $0x20;
	v61 =	vmul.f32 v53, v2;
	[tilespmem:s3+$0x3700] =	vst v59  }
.Ltmp3:
0x1b4: {  	v62 =	vmul.f32 v55, v2;
	[tilespmem:s3+$0x3780] =	vst v60;
	(pc) =	sbr.rel @p0 .LBB2_2-.Ltmp3, $4  }
0x1b5: {  	v63 =	vmul.f32 v58, v2;
	[tilespmem:s3+$0x6800] =	vst v61  }
0x1b6: {  	[tilespmem:s3+$0x6880] =	vst v62  }
0x1b7: {  	s29 =	sadd.s32 $0x5, s18;
	s31 =	sadd.s32 s8, s21;
	s30 =	smov.u32 s19;
	[tilespmem:s3+$0x6900] =	vst v63  }
0x1b8: {  	[hbm4b:s31+s4] =	stream.linear.scatter [tilespmem:s20], [sflag:s29], $0x9C00, $0x38;
	[tilespmem:$0x1E100] =	vst v63  }
0x1b9: {  	s0 =	simm.s32 $0x4  }
0x1ba: {  	_ =	swait.ge [sflag:s0], $0x9C00  }
0x1bb: {  	[sflag:s0] =	ssyncset.done $0x0  }
0x1bc: {  	[sflag:s0] =	ssyncadd.s32 $0xFFFF6400  }
0x1bd: {  	_ =	swait.ge [sflag:s16], $0x9C00  }
0x1be: {  	s17 =	sadd.s32 $0x1, s17;
	s31 =	rddreg [dreg:$0x5]  }
0x1bf: {  	p0 =	sne.s32 s17, s31  }
.Ltmp4:
0x1c0: {  	_ = 	snop;
	(pc) =	sbr.rel @p0 .LBB2_1-.Ltmp4, $3  }
0x1c1: {  	_ =	sdelay $0x1  }
0x1c2: {  	[sflag:s16] =	ssyncset.done $0x0  }
0x1c3: {  	[sflag:s16] =	ssyncadd.s32 $0xFFFF6400  }
0x1c4: {  	_ =	sfence.sel $0x180000  }
0x1c5: {  	[bflag:$0x0] =	sbarrier.arrive $0xFFFF  }
0x1c6: {  	_ =	strace $0x90000047  }
0x1c7: {  	s0 =	stileid.u32;
	[bflag:$0x2] =	sbarrier.arrive $0xFFFF  }
0x1c8: {  	p0 =	sne.s32 s0, $0x0;
	s0 =	rddreg [dreg:$0x3]  }
0x1c9: {  	s0 =	sadd.s32 @!p0 $0x100000, s0  }
0x1ca: {  	[sflag:s0] =	ssyncadd.tile.s32 @!p0 $0x1;
	_ =	shalt  }
.Lfunc_end2:
_tile_overlayer_lowered:
.L_overlay_start_2:
0x1cb: {  	(tag) =	ssettag $0x2  }
0x1cc: {  	s0 =	rddreg [dreg:$0x0];
	s2 =	stileid.u32  }
0x1cd: {  	s1 =	rddreg [dreg:$0x1];
	p0 =	sne.s32 s2, $0x0  }
0x1ce: {  	s3 =	rddreg [dreg:$0x2];
	[bflag:$0x3] =	sbarrier.arrive $0xFFFF;
	s2 =	simm.s32 @!p0 $0x1C07  }
0x1cf: {  	[timem:s3], [sflag:s2] =	dma.local @!p0 [hbm:s0], s1  }
0x1d0: {  	s0 =	simm.s32 @!p0 $0x7  }
0x1d1: {  	_ =	swait.ge @!p0 [sflag:s0], s1  }
0x1d2: {  	s1 =	ssub.s32 @!p0 $0x0, s1;
	[sflag:s0] =	ssyncset.done @!p0 $0x0  }
0x1d3: {  	[sflag:s0] =	ssyncadd.s32 @!p0 s1  }
0x1d4: {  	[bflag:$0x3] =	sbarrier.arrive $0xFFFF  }
0x1d5: {  	_ =	shalt  }

</sc_bundles>
